<compile_context>
chip_gen: v7x
topology: tpu7x:2x2x1
jax: 0.10.2.dev20260603
libtpu: 0.0.44.dev20260713+nightly
codegen_flags: <defaults>
</compile_context>

<pallas_src>
import functools
import jax
import jax.numpy as jnp
from jax import lax
from jax.experimental import pallas as pl
from jax.experimental.pallas import tpu as pltpu
from jax.experimental.pallas import tpu_sc as plsc

B = 16384
D = 128
NC = 2
NS = 16
NW = NC * NS
RPW = B // NW
CH = 128
NCHUNK = RPW // CH


def _gmf_body(uid_hbm, iid_hbm, ut_hbm, it_hbm, wb_hbm, out_hbm,
              uid_v, iid_v, u_rows0, u_rows1, i_rows0, i_rows1, wb_v, out_v,
              sem_u0, sem_u1, sem_i0, sem_i1):
    wid = lax.axis_index("s") * NC + lax.axis_index("c")
    pltpu.sync_copy(uid_hbm.at[wid], uid_v)
    pltpu.sync_copy(iid_hbm.at[wid], iid_v)
    u_bufs = (u_rows0, u_rows1)
    i_bufs = (i_rows0, i_rows1)
    sems_u = (sem_u0, sem_u1)
    sems_i = (sem_i0, sem_i1)

    def issue(g):
        s = g & 1
        cu = pltpu.async_copy(ut_hbm.at[uid_v.at[g]], u_bufs[s], sems_u[s])
        ci = pltpu.async_copy(it_hbm.at[iid_v.at[g]], i_bufs[s], sems_i[s])
        return cu, ci

    inflight = issue(0)
    pltpu.sync_copy(wb_hbm, wb_v)
    lanes = lax.iota(jnp.int32, 16)
    ngroups = CH // 16
    b_bc = plsc.load_gather(wb_v, [jnp.full((16,), D, jnp.int32)])
    for g in range(NCHUNK):
        cu, ci = inflight
        cu.wait()
        ci.wait()
        if g + 1 < NCHUNK:
            inflight = issue(g + 1)
        s = g & 1
        u_rows = u_bufs[s]
        i_rows = i_bufs[s]

        def col_body(d, accs):
            cols = (d + lanes) & (D - 1)
            w = plsc.load_gather(wb_v, [cols])
            new = []
            for gr in range(ngroups):
                rows = gr * 16 + lanes
                u = plsc.load_gather(u_rows, [rows, cols])
                v = plsc.load_gather(i_rows, [rows, cols])
                new.append(accs[gr] + u * v * w)
            return tuple(new)

        accs0 = tuple(jnp.zeros((16,), jnp.float32) for _ in range(ngroups))
        accs = plsc.parallel_loop(0, D, 1, unroll=4, carry=accs0)(col_body)
        for gr in range(ngroups):
            out_v[pl.ds(g * CH + gr * 16, 16)] = accs[gr] + b_bc
    pltpu.sync_copy(out_v, out_hbm.at[pl.ds(wid * RPW, RPW)])


@jax.jit
def kernel(user_id, item_id, user_table, item_table, W, b):
    wb = jnp.concatenate([W.reshape(-1), b, jnp.zeros((7,), jnp.float32)])
    uid = user_id.astype(jnp.int32).reshape(NW, NCHUNK, CH)
    iid = item_id.astype(jnp.int32).reshape(NW, NCHUNK, CH)
    mesh = plsc.VectorSubcoreMesh(core_axis_name="c", subcore_axis_name="s")
    run = functools.partial(
        pl.kernel,
        mesh=mesh,
        out_type=jax.ShapeDtypeStruct((B,), jnp.float32),
        scratch_types=[
            pltpu.VMEM((NCHUNK, CH), jnp.int32),
            pltpu.VMEM((NCHUNK, CH), jnp.int32),
            pltpu.VMEM((CH, D), jnp.float32),
            pltpu.VMEM((CH, D), jnp.float32),
            pltpu.VMEM((CH, D), jnp.float32),
            pltpu.VMEM((CH, D), jnp.float32),
            pltpu.VMEM((D + 8,), jnp.float32),
            pltpu.VMEM((RPW,), jnp.float32),
            pltpu.SemaphoreType.DMA,
            pltpu.SemaphoreType.DMA,
            pltpu.SemaphoreType.DMA,
            pltpu.SemaphoreType.DMA,
        ],
        compiler_params=pltpu.CompilerParams(needs_layout_passes=False),
    )(_gmf_body)
    return run(uid, iid, user_table, item_table, wb)

# --- scband reference (transcript-rebuilt; emitter-appended) ---
"""Pipeline reference for scband-gmf-38345468019275 (READ-ONLY COPY).

The authoritative reference and input builder live on the scoring server;
editing this copy changes nothing except your own understanding.
"""

import jax, jax.numpy as jnp
import numpy as np

USER_NUM = 1000000
ITEM_NUM = 1000000
EMBED_DIM = 128
BATCH = 16384


def setup_inputs(seed: int = 0) -> dict:
    key = jax.random.key(seed)
    k1, k2, k3, k4, k5, k6 = jax.random.split(key, 6)
    user_id = jax.random.randint(k1, (BATCH,), 0, USER_NUM, dtype=jnp.int64 if jax.config.jax_enable_x64 else jnp.int32)
    item_id = jax.random.randint(k2, (BATCH,), 0, ITEM_NUM, dtype=jnp.int64 if jax.config.jax_enable_x64 else jnp.int32)
    user_table = jax.random.normal(k3, (USER_NUM, EMBED_DIM), dtype=jnp.float32)
    item_table = jax.random.normal(k4, (ITEM_NUM, EMBED_DIM), dtype=jnp.float32)
    W = jax.random.normal(k5, (EMBED_DIM, 1), dtype=jnp.float32) * (1.0 / np.sqrt(EMBED_DIM))
    b = jax.random.normal(k6, (1,), dtype=jnp.float32) * 0.01
    return {"user_id": user_id, "item_id": item_id, "user_table": user_table, "item_table": item_table, "W": W, "b": b}


def reference(user_id, item_id, user_table, item_table, W, b):
    user_emb = jnp.take(user_table, user_id, axis=0)   # [B, 128] gather
    item_emb = jnp.take(item_table, item_id, axis=0)   # [B, 128] gather
    mf = user_emb * item_emb                           # elementwise product (GMF)
    pred = mf @ W + b                                  # [B, 1]
    return jnp.squeeze(pred, axis=-1)                  # [B]

if __name__ == "__main__":
    import jax
    _d = setup_inputs()
    print(jax.jit(kernel)(*tuple(_d.values())))

</pallas_src>

<mosaic_0001>
#map = affine_map<(d0, d1) -> (0, 0, 0)>
#map1 = affine_map<(d0, d1) -> (0, 0)>
#map2 = affine_map<(d0, d1) -> (0)>
module attributes {stable_mosaic.version = 14 : i64} {
  func.func @_gmf_body(%arg0: i32, %arg1: i32, %arg2: memref<32x4x128xi32, #tpu.memory_space<hbm>>, %arg3: memref<32x4x128xi32, #tpu.memory_space<hbm>>, %arg4: memref<1000000x128xf32, #tpu.memory_space<hbm>>, %arg5: memref<1000000x128xf32, #tpu.memory_space<hbm>>, %arg6: memref<136xf32, #tpu.memory_space<hbm>>, %arg7: memref<16384xf32, #tpu.memory_space<hbm>>, %arg8: memref<4x128xi32, #tpu.memory_space<vmem>>, %arg9: memref<4x128xi32, #tpu.memory_space<vmem>>, %arg10: memref<128x128xf32, #tpu.memory_space<vmem>>, %arg11: memref<128x128xf32, #tpu.memory_space<vmem>>, %arg12: memref<128x128xf32, #tpu.memory_space<vmem>>, %arg13: memref<128x128xf32, #tpu.memory_space<vmem>>, %arg14: memref<136xf32, #tpu.memory_space<vmem>>, %arg15: memref<512xf32, #tpu.memory_space<vmem>>, %arg16: memref<!tpu.dma_semaphore, #tpu.memory_space<semaphore_mem>>, %arg17: memref<!tpu.dma_semaphore, #tpu.memory_space<semaphore_mem>>, %arg18: memref<!tpu.dma_semaphore, #tpu.memory_space<semaphore_mem>>, %arg19: memref<!tpu.dma_semaphore, #tpu.memory_space<semaphore_mem>>) attributes {dimension_semantics = [#tpu.dimension_semantics<core_parallel>, #tpu.dimension_semantics<subcore_parallel>], iteration_bounds = array<i64: 2, 16>, scalar_prefetch = 0 : i64, scratch_operands = 12 : i64, tpu.core_type = #tpu.core_type<sc_vector_subcore>, window_params = [{transform_indices = #map}, {transform_indices = #map}, {transform_indices = #map1}, {transform_indices = #map1}, {transform_indices = #map2}, {transform_indices = #map2}]} {
    %mul3A = arith.constant 2 : i32
    %mul3A_0 = arith.muli %arg1, %mul3A : i32
    %add3A = arith.addi %mul3A_0, %arg0 : i32
    "tpu.region"() ({
      %run_scoped3A = tpu.sem_alloc : memref<!tpu.dma_semaphore, #tpu.memory_space<semaphore_mem>>
      %dma_start3A_288 = arith.constant 0 : i32
      %dma_start3A_289 = arith.constant 0 : i32
      %dma_start3A_290 = tpu.memref_slice %arg2[%add3A, %dma_start3A_288, %dma_start3A_289] : memref<32x4x128xi32, #tpu.memory_space<hbm>> -> memref<1x4x128xi32, #tpu.memory_space<hbm>>
      %dma_start3A_291 = tpu.memref_squeeze %dma_start3A_290 : memref<1x4x128xi32, #tpu.memory_space<hbm>> -> memref<4x128xi32, #tpu.memory_space<hbm>>
      %dma_start3A_292 = arith.constant 0 : i32
      %dma_start3A_293 = arith.constant 0 : i32
      %dma_start3A_294 = tpu.memref_slice %arg2[%add3A, %dma_start3A_292, %dma_start3A_293] : memref<32x4x128xi32, #tpu.memory_space<hbm>> -> memref<1x4x128xi32, #tpu.memory_space<hbm>>
      %dma_start3A_295 = tpu.memref_squeeze %dma_start3A_294 : memref<1x4x128xi32, #tpu.memory_space<hbm>> -> memref<4x128xi32, #tpu.memory_space<hbm>>
      tpu.enqueue_dma source(%dma_start3A_295 : memref<4x128xi32, #tpu.memory_space<hbm>>) target(%arg8 : memref<4x128xi32, #tpu.memory_space<vmem>>) target_semaphore(%run_scoped3A : memref<!tpu.dma_semaphore, #tpu.memory_space<semaphore_mem>>)
      %dma_wait3A_296 = arith.constant 0 : i32
      %dma_wait3A_297 = arith.constant 0 : i32
      %dma_wait3A_298 = tpu.memref_slice %arg2[%add3A, %dma_wait3A_296, %dma_wait3A_297] : memref<32x4x128xi32, #tpu.memory_space<hbm>> -> memref<1x4x128xi32, #tpu.memory_space<hbm>>
      %dma_wait3A_299 = tpu.memref_squeeze %dma_wait3A_298 : memref<1x4x128xi32, #tpu.memory_space<hbm>> -> memref<4x128xi32, #tpu.memory_space<hbm>>
      %dma_wait3A_300 = arith.constant 0 : i32
      %dma_wait3A_301 = arith.constant 0 : i32
      %dma_wait3A_302 = tpu.memref_slice %arg2[%add3A, %dma_wait3A_300, %dma_wait3A_301] : memref<32x4x128xi32, #tpu.memory_space<hbm>> -> memref<1x4x128xi32, #tpu.memory_space<hbm>>
      %dma_wait3A_303 = tpu.memref_squeeze %dma_wait3A_302 : memref<1x4x128xi32, #tpu.memory_space<hbm>> -> memref<4x128xi32, #tpu.memory_space<hbm>>
      tpu.wait_dma2 semaphore(%run_scoped3A : memref<!tpu.dma_semaphore, #tpu.memory_space<semaphore_mem>>) src(%dma_wait3A_303 : memref<4x128xi32, #tpu.memory_space<hbm>>) dst(%arg8 : memref<4x128xi32, #tpu.memory_space<vmem>>)
      tpu.yield
    }) : () -> ()
    "tpu.region"() ({
      %run_scoped3A = tpu.sem_alloc : memref<!tpu.dma_semaphore, #tpu.memory_space<semaphore_mem>>
      %dma_start3A_288 = arith.constant 0 : i32
      %dma_start3A_289 = arith.constant 0 : i32
      %dma_start3A_290 = tpu.memref_slice %arg3[%add3A, %dma_start3A_288, %dma_start3A_289] : memref<32x4x128xi32, #tpu.memory_space<hbm>> -> memref<1x4x128xi32, #tpu.memory_space<hbm>>
      %dma_start3A_291 = tpu.memref_squeeze %dma_start3A_290 : memref<1x4x128xi32, #tpu.memory_space<hbm>> -> memref<4x128xi32, #tpu.memory_space<hbm>>
      %dma_start3A_292 = arith.constant 0 : i32
      %dma_start3A_293 = arith.constant 0 : i32
      %dma_start3A_294 = tpu.memref_slice %arg3[%add3A, %dma_start3A_292, %dma_start3A_293] : memref<32x4x128xi32, #tpu.memory_space<hbm>> -> memref<1x4x128xi32, #tpu.memory_space<hbm>>
      %dma_start3A_295 = tpu.memref_squeeze %dma_start3A_294 : memref<1x4x128xi32, #tpu.memory_space<hbm>> -> memref<4x128xi32, #tpu.memory_space<hbm>>
      tpu.enqueue_dma source(%dma_start3A_295 : memref<4x128xi32, #tpu.memory_space<hbm>>) target(%arg9 : memref<4x128xi32, #tpu.memory_space<vmem>>) target_semaphore(%run_scoped3A : memref<!tpu.dma_semaphore, #tpu.memory_space<semaphore_mem>>)
      %dma_wait3A_296 = arith.constant 0 : i32
      %dma_wait3A_297 = arith.constant 0 : i32
      %dma_wait3A_298 = tpu.memref_slice %arg3[%add3A, %dma_wait3A_296, %dma_wait3A_297] : memref<32x4x128xi32, #tpu.memory_space<hbm>> -> memref<1x4x128xi32, #tpu.memory_space<hbm>>
      %dma_wait3A_299 = tpu.memref_squeeze %dma_wait3A_298 : memref<1x4x128xi32, #tpu.memory_space<hbm>> -> memref<4x128xi32, #tpu.memory_space<hbm>>
      %dma_wait3A_300 = arith.constant 0 : i32
      %dma_wait3A_301 = arith.constant 0 : i32
      %dma_wait3A_302 = tpu.memref_slice %arg3[%add3A, %dma_wait3A_300, %dma_wait3A_301] : memref<32x4x128xi32, #tpu.memory_space<hbm>> -> memref<1x4x128xi32, #tpu.memory_space<hbm>>
      %dma_wait3A_303 = tpu.memref_squeeze %dma_wait3A_302 : memref<1x4x128xi32, #tpu.memory_space<hbm>> -> memref<4x128xi32, #tpu.memory_space<hbm>>
      tpu.wait_dma2 semaphore(%run_scoped3A : memref<!tpu.dma_semaphore, #tpu.memory_space<semaphore_mem>>) src(%dma_wait3A_303 : memref<4x128xi32, #tpu.memory_space<hbm>>) dst(%arg9 : memref<4x128xi32, #tpu.memory_space<vmem>>)
      tpu.yield
    }) : () -> ()
    %dma_start3A = arith.constant 0 : i32
    %dma_start3A_1 = arith.constant 0 : i32
    %dma_start3A_2 = tpu.memref_slice %arg8[%dma_start3A, %dma_start3A_1] : memref<4x128xi32, #tpu.memory_space<vmem>> -> memref<1x128xi32, #tpu.memory_space<vmem>>
    %dma_start3A_3 = tpu.memref_squeeze %dma_start3A_2 : memref<1x128xi32, #tpu.memory_space<vmem>> -> memref<128xi32, #tpu.memory_space<vmem>>
    %dma_start3A_4 = arith.constant 0 : i32
    %dma_start3A_5 = arith.constant 0 : i32
    %dma_start3A_6 = tpu.memref_slice %arg4[%dma_start3A_4, %dma_start3A_5] : memref<1000000x128xf32, #tpu.memory_space<hbm>> -> memref<1000000x128xf32, #tpu.memory_space<hbm>>
    tpu.enqueue_indirect_dma source(%dma_start3A_6 : memref<1000000x128xf32, #tpu.memory_space<hbm>>) target(%arg10 : memref<128x128xf32, #tpu.memory_space<vmem>>) offsets(%dma_start3A_3 : memref<128xi32, #tpu.memory_space<vmem>>) semaphore(%arg16 : memref<!tpu.dma_semaphore, #tpu.memory_space<semaphore_mem>>)
    %dma_start3A_7 = arith.constant 0 : i32
    %dma_start3A_8 = arith.constant 0 : i32
    %dma_start3A_9 = tpu.memref_slice %arg9[%dma_start3A_7, %dma_start3A_8] : memref<4x128xi32, #tpu.memory_space<vmem>> -> memref<1x128xi32, #tpu.memory_space<vmem>>
    %dma_start3A_10 = tpu.memref_squeeze %dma_start3A_9 : memref<1x128xi32, #tpu.memory_space<vmem>> -> memref<128xi32, #tpu.memory_space<vmem>>
    %dma_start3A_11 = arith.constant 0 : i32
    %dma_start3A_12 = arith.constant 0 : i32
    %dma_start3A_13 = tpu.memref_slice %arg5[%dma_start3A_11, %dma_start3A_12] : memref<1000000x128xf32, #tpu.memory_space<hbm>> -> memref<1000000x128xf32, #tpu.memory_space<hbm>>
    tpu.enqueue_indirect_dma source(%dma_start3A_13 : memref<1000000x128xf32, #tpu.memory_space<hbm>>) target(%arg12 : memref<128x128xf32, #tpu.memory_space<vmem>>) offsets(%dma_start3A_10 : memref<128xi32, #tpu.memory_space<vmem>>) semaphore(%arg18 : memref<!tpu.dma_semaphore, #tpu.memory_space<semaphore_mem>>)
    "tpu.region"() ({
      %run_scoped3A = tpu.sem_alloc : memref<!tpu.dma_semaphore, #tpu.memory_space<semaphore_mem>>
      tpu.enqueue_dma source(%arg6 : memref<136xf32, #tpu.memory_space<hbm>>) target(%arg14 : memref<136xf32, #tpu.memory_space<vmem>>) target_semaphore(%run_scoped3A : memref<!tpu.dma_semaphore, #tpu.memory_space<semaphore_mem>>)
      tpu.wait_dma2 semaphore(%run_scoped3A : memref<!tpu.dma_semaphore, #tpu.memory_space<semaphore_mem>>) src(%arg6 : memref<136xf32, #tpu.memory_space<hbm>>) dst(%arg14 : memref<136xf32, #tpu.memory_space<vmem>>)
      tpu.yield
    }) : () -> ()
    %iota3A = tpu.iota {dimensions = array<i32: 0>} : vector<16xi32>
    %broadcast_in_dim3A = arith.constant 128 : i32
    %broadcast_in_dim3A_14 = vector.broadcast %broadcast_in_dim3A : i32 to vector<16xi32>
    %gather3A = tpu.vector_load_idx %arg14[%broadcast_in_dim3A_14] : memref<136xf32, #tpu.memory_space<vmem>>[vector<16xi32>], vector<16xf32>,
    %dma_wait3A = arith.constant 0 : i32
    %dma_wait3A_15 = arith.constant 0 : i32
    %dma_wait3A_16 = tpu.memref_slice %arg8[%dma_wait3A, %dma_wait3A_15] : memref<4x128xi32, #tpu.memory_space<vmem>> -> memref<1x128xi32, #tpu.memory_space<vmem>>
    %dma_wait3A_17 = tpu.memref_squeeze %dma_wait3A_16 : memref<1x128xi32, #tpu.memory_space<vmem>> -> memref<128xi32, #tpu.memory_space<vmem>>
    %dma_wait3A_18 = arith.constant 0 : i32
    %dma_wait3A_19 = arith.constant 0 : i32
    %dma_wait3A_20 = tpu.memref_slice %arg4[%dma_wait3A_18, %dma_wait3A_19] : memref<1000000x128xf32, #tpu.memory_space<hbm>> -> memref<1000000x128xf32, #tpu.memory_space<hbm>>
    tpu.wait_indirect_dma semaphore(%arg16 : memref<!tpu.dma_semaphore, #tpu.memory_space<semaphore_mem>>) src(%dma_wait3A_20 : memref<1000000x128xf32, #tpu.memory_space<hbm>>) dst(%arg10 : memref<128x128xf32, #tpu.memory_space<vmem>>)
    %dma_wait3A_21 = arith.constant 0 : i32
    %dma_wait3A_22 = arith.constant 0 : i32
    %dma_wait3A_23 = tpu.memref_slice %arg9[%dma_wait3A_21, %dma_wait3A_22] : memref<4x128xi32, #tpu.memory_space<vmem>> -> memref<1x128xi32, #tpu.memory_space<vmem>>
    %dma_wait3A_24 = tpu.memref_squeeze %dma_wait3A_23 : memref<1x128xi32, #tpu.memory_space<vmem>> -> memref<128xi32, #tpu.memory_space<vmem>>
    %dma_wait3A_25 = arith.constant 0 : i32
    %dma_wait3A_26 = arith.constant 0 : i32
    %dma_wait3A_27 = tpu.memref_slice %arg5[%dma_wait3A_25, %dma_wait3A_26] : memref<1000000x128xf32, #tpu.memory_space<hbm>> -> memref<1000000x128xf32, #tpu.memory_space<hbm>>
    tpu.wait_indirect_dma semaphore(%arg18 : memref<!tpu.dma_semaphore, #tpu.memory_space<semaphore_mem>>) src(%dma_wait3A_27 : memref<1000000x128xf32, #tpu.memory_space<hbm>>) dst(%arg12 : memref<128x128xf32, #tpu.memory_space<vmem>>)
    %dma_start3A_28 = arith.constant 1 : i32
    %dma_start3A_29 = arith.constant 0 : i32
    %dma_start3A_30 = tpu.memref_slice %arg8[%dma_start3A_28, %dma_start3A_29] : memref<4x128xi32, #tpu.memory_space<vmem>> -> memref<1x128xi32, #tpu.memory_space<vmem>>
    %dma_start3A_31 = tpu.memref_squeeze %dma_start3A_30 : memref<1x128xi32, #tpu.memory_space<vmem>> -> memref<128xi32, #tpu.memory_space<vmem>>
    %dma_start3A_32 = arith.constant 0 : i32
    %dma_start3A_33 = arith.constant 0 : i32
    %dma_start3A_34 = tpu.memref_slice %arg4[%dma_start3A_32, %dma_start3A_33] : memref<1000000x128xf32, #tpu.memory_space<hbm>> -> memref<1000000x128xf32, #tpu.memory_space<hbm>>
    tpu.enqueue_indirect_dma source(%dma_start3A_34 : memref<1000000x128xf32, #tpu.memory_space<hbm>>) target(%arg11 : memref<128x128xf32, #tpu.memory_space<vmem>>) offsets(%dma_start3A_31 : memref<128xi32, #tpu.memory_space<vmem>>) semaphore(%arg17 : memref<!tpu.dma_semaphore, #tpu.memory_space<semaphore_mem>>)
    %dma_start3A_35 = arith.constant 1 : i32
    %dma_start3A_36 = arith.constant 0 : i32
    %dma_start3A_37 = tpu.memref_slice %arg9[%dma_start3A_35, %dma_start3A_36] : memref<4x128xi32, #tpu.memory_space<vmem>> -> memref<1x128xi32, #tpu.memory_space<vmem>>
    %dma_start3A_38 = tpu.memref_squeeze %dma_start3A_37 : memref<1x128xi32, #tpu.memory_space<vmem>> -> memref<128xi32, #tpu.memory_space<vmem>>
    %dma_start3A_39 = arith.constant 0 : i32
    %dma_start3A_40 = arith.constant 0 : i32
    %dma_start3A_41 = tpu.memref_slice %arg5[%dma_start3A_39, %dma_start3A_40] : memref<1000000x128xf32, #tpu.memory_space<hbm>> -> memref<1000000x128xf32, #tpu.memory_space<hbm>>
    tpu.enqueue_indirect_dma source(%dma_start3A_41 : memref<1000000x128xf32, #tpu.memory_space<hbm>>) target(%arg13 : memref<128x128xf32, #tpu.memory_space<vmem>>) offsets(%dma_start3A_38 : memref<128xi32, #tpu.memory_space<vmem>>) semaphore(%arg19 : memref<!tpu.dma_semaphore, #tpu.memory_space<semaphore_mem>>)
    %broadcast_in_dim3A_42 = arith.constant 0.000000e+00 : f32
    %broadcast_in_dim3A_43 = vector.broadcast %broadcast_in_dim3A_42 : f32 to vector<16xf32>
    %broadcast_in_dim3A_44 = arith.constant 0.000000e+00 : f32
    %broadcast_in_dim3A_45 = vector.broadcast %broadcast_in_dim3A_44 : f32 to vector<16xf32>
    %broadcast_in_dim3A_46 = arith.constant 0.000000e+00 : f32
    %broadcast_in_dim3A_47 = vector.broadcast %broadcast_in_dim3A_46 : f32 to vector<16xf32>
    %broadcast_in_dim3A_48 = arith.constant 0.000000e+00 : f32
    %broadcast_in_dim3A_49 = vector.broadcast %broadcast_in_dim3A_48 : f32 to vector<16xf32>
    %broadcast_in_dim3A_50 = arith.constant 0.000000e+00 : f32
    %broadcast_in_dim3A_51 = vector.broadcast %broadcast_in_dim3A_50 : f32 to vector<16xf32>
    %broadcast_in_dim3A_52 = arith.constant 0.000000e+00 : f32
    %broadcast_in_dim3A_53 = vector.broadcast %broadcast_in_dim3A_52 : f32 to vector<16xf32>
    %broadcast_in_dim3A_54 = arith.constant 0.000000e+00 : f32
    %broadcast_in_dim3A_55 = vector.broadcast %broadcast_in_dim3A_54 : f32 to vector<16xf32>
    %broadcast_in_dim3A_56 = arith.constant 0.000000e+00 : f32
    %broadcast_in_dim3A_57 = vector.broadcast %broadcast_in_dim3A_56 : f32 to vector<16xf32>
    %parallel_loop3A = arith.constant 0 : i32
    %parallel_loop3A_58 = arith.constant 128 : i32
    %parallel_loop3A_59 = arith.constant 1 : i32
    %parallel_loop3A_60:8 = scf.for %parallel_loop3A_288 = %parallel_loop3A to %parallel_loop3A_58 step %parallel_loop3A_59 iter_args(%parallel_loop3A_289 = %broadcast_in_dim3A_43, %parallel_loop3A_290 = %broadcast_in_dim3A_45, %parallel_loop3A_291 = %broadcast_in_dim3A_47, %parallel_loop3A_292 = %broadcast_in_dim3A_49, %parallel_loop3A_293 = %broadcast_in_dim3A_51, %parallel_loop3A_294 = %broadcast_in_dim3A_53, %parallel_loop3A_295 = %broadcast_in_dim3A_55, %parallel_loop3A_296 = %broadcast_in_dim3A_57) -> (vector<16xf32>, vector<16xf32>, vector<16xf32>, vector<16xf32>, vector<16xf32>, vector<16xf32>, vector<16xf32>, vector<16xf32>)  : i32 {
      %parallel_loop3A_297 = vector.broadcast %parallel_loop3A_288 : i32 to vector<16xi32>
      %parallel_loop3A_298 = arith.addi %parallel_loop3A_297, %iota3A : vector<16xi32>
      %parallel_loop3A_299 = arith.constant 127 : i32
      %parallel_loop3A_300 = vector.broadcast %parallel_loop3A_299 : i32 to vector<16xi32>
      %parallel_loop3A_301 = arith.andi %parallel_loop3A_298, %parallel_loop3A_300 : vector<16xi32>
      %parallel_loop3A_302 = tpu.vector_load_idx %arg14[%parallel_loop3A_301] : memref<136xf32, #tpu.memory_space<vmem>>[vector<16xi32>], vector<16xf32>,
      %parallel_loop3A_303 = arith.constant 0 : i32
      %parallel_loop3A_304 = vector.broadcast %parallel_loop3A_303 : i32 to vector<16xi32>
      %parallel_loop3A_305 = arith.addi %parallel_loop3A_304, %iota3A : vector<16xi32>
      %parallel_loop3A_306 = tpu.vector_load_idx %arg10[%parallel_loop3A_305, %parallel_loop3A_301] : memref<128x128xf32, #tpu.memory_space<vmem>>[vector<16xi32>, vector<16xi32>], vector<16xf32>,
      %parallel_loop3A_307 = tpu.vector_load_idx %arg12[%parallel_loop3A_305, %parallel_loop3A_301] : memref<128x128xf32, #tpu.memory_space<vmem>>[vector<16xi32>, vector<16xi32>], vector<16xf32>,
      %parallel_loop3A_308 = arith.mulf %parallel_loop3A_306, %parallel_loop3A_307 : vector<16xf32>
      %parallel_loop3A_309 = arith.mulf %parallel_loop3A_308, %parallel_loop3A_302 : vector<16xf32>
      %parallel_loop3A_310 = arith.addf %parallel_loop3A_289, %parallel_loop3A_309 : vector<16xf32>
      %parallel_loop3A_311 = arith.constant 16 : i32
      %parallel_loop3A_312 = vector.broadcast %parallel_loop3A_311 : i32 to vector<16xi32>
      %parallel_loop3A_313 = arith.addi %parallel_loop3A_312, %iota3A : vector<16xi32>
      %parallel_loop3A_314 = tpu.vector_load_idx %arg10[%parallel_loop3A_313, %parallel_loop3A_301] : memref<128x128xf32, #tpu.memory_space<vmem>>[vector<16xi32>, vector<16xi32>], vector<16xf32>,
      %parallel_loop3A_315 = tpu.vector_load_idx %arg12[%parallel_loop3A_313, %parallel_loop3A_301] : memref<128x128xf32, #tpu.memory_space<vmem>>[vector<16xi32>, vector<16xi32>], vector<16xf32>,
      %parallel_loop3A_316 = arith.mulf %parallel_loop3A_314, %parallel_loop3A_315 : vector<16xf32>
      %parallel_loop3A_317 = arith.mulf %parallel_loop3A_316, %parallel_loop3A_302 : vector<16xf32>
      %parallel_loop3A_318 = arith.addf %parallel_loop3A_290, %parallel_loop3A_317 : vector<16xf32>
      %parallel_loop3A_319 = arith.constant 32 : i32
      %parallel_loop3A_320 = vector.broadcast %parallel_loop3A_319 : i32 to vector<16xi32>
      %parallel_loop3A_321 = arith.addi %parallel_loop3A_320, %iota3A : vector<16xi32>
      %parallel_loop3A_322 = tpu.vector_load_idx %arg10[%parallel_loop3A_321, %parallel_loop3A_301] : memref<128x128xf32, #tpu.memory_space<vmem>>[vector<16xi32>, vector<16xi32>], vector<16xf32>,
      %parallel_loop3A_323 = tpu.vector_load_idx %arg12[%parallel_loop3A_321, %parallel_loop3A_301] : memref<128x128xf32, #tpu.memory_space<vmem>>[vector<16xi32>, vector<16xi32>], vector<16xf32>,
      %parallel_loop3A_324 = arith.mulf %parallel_loop3A_322, %parallel_loop3A_323 : vector<16xf32>
      %parallel_loop3A_325 = arith.mulf %parallel_loop3A_324, %parallel_loop3A_302 : vector<16xf32>
      %parallel_loop3A_326 = arith.addf %parallel_loop3A_291, %parallel_loop3A_325 : vector<16xf32>
      %parallel_loop3A_327 = arith.constant 48 : i32
      %parallel_loop3A_328 = vector.broadcast %parallel_loop3A_327 : i32 to vector<16xi32>
      %parallel_loop3A_329 = arith.addi %parallel_loop3A_328, %iota3A : vector<16xi32>
      %parallel_loop3A_330 = tpu.vector_load_idx %arg10[%parallel_loop3A_329, %parallel_loop3A_301] : memref<128x128xf32, #tpu.memory_space<vmem>>[vector<16xi32>, vector<16xi32>], vector<16xf32>,
      %parallel_loop3A_331 = tpu.vector_load_idx %arg12[%parallel_loop3A_329, %parallel_loop3A_301] : memref<128x128xf32, #tpu.memory_space<vmem>>[vector<16xi32>, vector<16xi32>], vector<16xf32>,
      %parallel_loop3A_332 = arith.mulf %parallel_loop3A_330, %parallel_loop3A_331 : vector<16xf32>
      %parallel_loop3A_333 = arith.mulf %parallel_loop3A_332, %parallel_loop3A_302 : vector<16xf32>
      %parallel_loop3A_334 = arith.addf %parallel_loop3A_292, %parallel_loop3A_333 : vector<16xf32>
      %parallel_loop3A_335 = arith.constant 64 : i32
      %parallel_loop3A_336 = vector.broadcast %parallel_loop3A_335 : i32 to vector<16xi32>
      %parallel_loop3A_337 = arith.addi %parallel_loop3A_336, %iota3A : vector<16xi32>
      %parallel_loop3A_338 = tpu.vector_load_idx %arg10[%parallel_loop3A_337, %parallel_loop3A_301] : memref<128x128xf32, #tpu.memory_space<vmem>>[vector<16xi32>, vector<16xi32>], vector<16xf32>,
      %parallel_loop3A_339 = tpu.vector_load_idx %arg12[%parallel_loop3A_337, %parallel_loop3A_301] : memref<128x128xf32, #tpu.memory_space<vmem>>[vector<16xi32>, vector<16xi32>], vector<16xf32>,
      %parallel_loop3A_340 = arith.mulf %parallel_loop3A_338, %parallel_loop3A_339 : vector<16xf32>
      %parallel_loop3A_341 = arith.mulf %parallel_loop3A_340, %parallel_loop3A_302 : vector<16xf32>
      %parallel_loop3A_342 = arith.addf %parallel_loop3A_293, %parallel_loop3A_341 : vector<16xf32>
      %parallel_loop3A_343 = arith.constant 80 : i32
      %parallel_loop3A_344 = vector.broadcast %parallel_loop3A_343 : i32 to vector<16xi32>
      %parallel_loop3A_345 = arith.addi %parallel_loop3A_344, %iota3A : vector<16xi32>
      %parallel_loop3A_346 = tpu.vector_load_idx %arg10[%parallel_loop3A_345, %parallel_loop3A_301] : memref<128x128xf32, #tpu.memory_space<vmem>>[vector<16xi32>, vector<16xi32>], vector<16xf32>,
      %parallel_loop3A_347 = tpu.vector_load_idx %arg12[%parallel_loop3A_345, %parallel_loop3A_301] : memref<128x128xf32, #tpu.memory_space<vmem>>[vector<16xi32>, vector<16xi32>], vector<16xf32>,
      %parallel_loop3A_348 = arith.mulf %parallel_loop3A_346, %parallel_loop3A_347 : vector<16xf32>
      %parallel_loop3A_349 = arith.mulf %parallel_loop3A_348, %parallel_loop3A_302 : vector<16xf32>
      %parallel_loop3A_350 = arith.addf %parallel_loop3A_294, %parallel_loop3A_349 : vector<16xf32>
      %parallel_loop3A_351 = arith.constant 96 : i32
      %parallel_loop3A_352 = vector.broadcast %parallel_loop3A_351 : i32 to vector<16xi32>
      %parallel_loop3A_353 = arith.addi %parallel_loop3A_352, %iota3A : vector<16xi32>
      %parallel_loop3A_354 = tpu.vector_load_idx %arg10[%parallel_loop3A_353, %parallel_loop3A_301] : memref<128x128xf32, #tpu.memory_space<vmem>>[vector<16xi32>, vector<16xi32>], vector<16xf32>,
      %parallel_loop3A_355 = tpu.vector_load_idx %arg12[%parallel_loop3A_353, %parallel_loop3A_301] : memref<128x128xf32, #tpu.memory_space<vmem>>[vector<16xi32>, vector<16xi32>], vector<16xf32>,
      %parallel_loop3A_356 = arith.mulf %parallel_loop3A_354, %parallel_loop3A_355 : vector<16xf32>
      %parallel_loop3A_357 = arith.mulf %parallel_loop3A_356, %parallel_loop3A_302 : vector<16xf32>
      %parallel_loop3A_358 = arith.addf %parallel_loop3A_295, %parallel_loop3A_357 : vector<16xf32>
      %parallel_loop3A_359 = arith.constant 112 : i32
      %parallel_loop3A_360 = vector.broadcast %parallel_loop3A_359 : i32 to vector<16xi32>
      %parallel_loop3A_361 = arith.addi %parallel_loop3A_360, %iota3A : vector<16xi32>
      %parallel_loop3A_362 = tpu.vector_load_idx %arg10[%parallel_loop3A_361, %parallel_loop3A_301] : memref<128x128xf32, #tpu.memory_space<vmem>>[vector<16xi32>, vector<16xi32>], vector<16xf32>,
      %parallel_loop3A_363 = tpu.vector_load_idx %arg12[%parallel_loop3A_361, %parallel_loop3A_301] : memref<128x128xf32, #tpu.memory_space<vmem>>[vector<16xi32>, vector<16xi32>], vector<16xf32>,
      %parallel_loop3A_364 = arith.mulf %parallel_loop3A_362, %parallel_loop3A_363 : vector<16xf32>
      %parallel_loop3A_365 = arith.mulf %parallel_loop3A_364, %parallel_loop3A_302 : vector<16xf32>
      %parallel_loop3A_366 = arith.addf %parallel_loop3A_296, %parallel_loop3A_365 : vector<16xf32>
      scf.yield %parallel_loop3A_310, %parallel_loop3A_318, %parallel_loop3A_326, %parallel_loop3A_334, %parallel_loop3A_342, %parallel_loop3A_350, %parallel_loop3A_358, %parallel_loop3A_366 : vector<16xf32>, vector<16xf32>, vector<16xf32>, vector<16xf32>, vector<16xf32>, vector<16xf32>, vector<16xf32>, vector<16xf32>
    } {sc.loop_unroll_factor = 4 : i64, sc.parallel_access}
    %add3A_61 = arith.addf %parallel_loop3A_60#0, %gather3A : vector<16xf32>
    %swap3A = arith.constant 0 : index
    %swap3A_62 = tpu.vector_load %arg15[%swap3A] {strides = array<i32>} : memref<512xf32, #tpu.memory_space<vmem>>, vector<16xf32>,
    tpu.vector_store %arg15[%swap3A], %add3A_61 {strides = array<i32>} : memref<512xf32, #tpu.memory_space<vmem>>, vector<16xf32>,
    %add3A_63 = arith.addf %parallel_loop3A_60#1, %gather3A : vector<16xf32>
    %swap3A_64 = arith.constant 16 : index
    %swap3A_65 = tpu.vector_load %arg15[%swap3A_64] {strides = array<i32>} : memref<512xf32, #tpu.memory_space<vmem>>, vector<16xf32>,
    tpu.vector_store %arg15[%swap3A_64], %add3A_63 {strides = array<i32>} : memref<512xf32, #tpu.memory_space<vmem>>, vector<16xf32>,
    %add3A_66 = arith.addf %parallel_loop3A_60#2, %gather3A : vector<16xf32>
    %swap3A_67 = arith.constant 32 : index
    %swap3A_68 = tpu.vector_load %arg15[%swap3A_67] {strides = array<i32>} : memref<512xf32, #tpu.memory_space<vmem>>, vector<16xf32>,
    tpu.vector_store %arg15[%swap3A_67], %add3A_66 {strides = array<i32>} : memref<512xf32, #tpu.memory_space<vmem>>, vector<16xf32>,
    %add3A_69 = arith.addf %parallel_loop3A_60#3, %gather3A : vector<16xf32>
    %swap3A_70 = arith.constant 48 : index
    %swap3A_71 = tpu.vector_load %arg15[%swap3A_70] {strides = array<i32>} : memref<512xf32, #tpu.memory_space<vmem>>, vector<16xf32>,
    tpu.vector_store %arg15[%swap3A_70], %add3A_69 {strides = array<i32>} : memref<512xf32, #tpu.memory_space<vmem>>, vector<16xf32>,
    %add3A_72 = arith.addf %parallel_loop3A_60#4, %gather3A : vector<16xf32>
    %swap3A_73 = arith.constant 64 : index
    %swap3A_74 = tpu.vector_load %arg15[%swap3A_73] {strides = array<i32>} : memref<512xf32, #tpu.memory_space<vmem>>, vector<16xf32>,
    tpu.vector_store %arg15[%swap3A_73], %add3A_72 {strides = array<i32>} : memref<512xf32, #tpu.memory_space<vmem>>, vector<16xf32>,
    %add3A_75 = arith.addf %parallel_loop3A_60#5, %gather3A : vector<16xf32>
    %swap3A_76 = arith.constant 80 : index
    %swap3A_77 = tpu.vector_load %arg15[%swap3A_76] {strides = array<i32>} : memref<512xf32, #tpu.memory_space<vmem>>, vector<16xf32>,
    tpu.vector_store %arg15[%swap3A_76], %add3A_75 {strides = array<i32>} : memref<512xf32, #tpu.memory_space<vmem>>, vector<16xf32>,
    %add3A_78 = arith.addf %parallel_loop3A_60#6, %gather3A : vector<16xf32>
    %swap3A_79 = arith.constant 96 : index
    %swap3A_80 = tpu.vector_load %arg15[%swap3A_79] {strides = array<i32>} : memref<512xf32, #tpu.memory_space<vmem>>, vector<16xf32>,
    tpu.vector_store %arg15[%swap3A_79], %add3A_78 {strides = array<i32>} : memref<512xf32, #tpu.memory_space<vmem>>, vector<16xf32>,
    %add3A_81 = arith.addf %parallel_loop3A_60#7, %gather3A : vector<16xf32>
    %swap3A_82 = arith.constant 112 : index
    %swap3A_83 = tpu.vector_load %arg15[%swap3A_82] {strides = array<i32>} : memref<512xf32, #tpu.memory_space<vmem>>, vector<16xf32>,
    tpu.vector_store %arg15[%swap3A_82], %add3A_81 {strides = array<i32>} : memref<512xf32, #tpu.memory_space<vmem>>, vector<16xf32>,
    %dma_wait3A_84 = arith.constant 1 : i32
    %dma_wait3A_85 = arith.constant 0 : i32
    %dma_wait3A_86 = tpu.memref_slice %arg8[%dma_wait3A_84, %dma_wait3A_85] : memref<4x128xi32, #tpu.memory_space<vmem>> -> memref<1x128xi32, #tpu.memory_space<vmem>>
    %dma_wait3A_87 = tpu.memref_squeeze %dma_wait3A_86 : memref<1x128xi32, #tpu.memory_space<vmem>> -> memref<128xi32, #tpu.memory_space<vmem>>
    %dma_wait3A_88 = arith.constant 0 : i32
    %dma_wait3A_89 = arith.constant 0 : i32
    %dma_wait3A_90 = tpu.memref_slice %arg4[%dma_wait3A_88, %dma_wait3A_89] : memref<1000000x128xf32, #tpu.memory_space<hbm>> -> memref<1000000x128xf32, #tpu.memory_space<hbm>>
    tpu.wait_indirect_dma semaphore(%arg17 : memref<!tpu.dma_semaphore, #tpu.memory_space<semaphore_mem>>) src(%dma_wait3A_90 : memref<1000000x128xf32, #tpu.memory_space<hbm>>) dst(%arg11 : memref<128x128xf32, #tpu.memory_space<vmem>>)
    %dma_wait3A_91 = arith.constant 1 : i32
    %dma_wait3A_92 = arith.constant 0 : i32
    %dma_wait3A_93 = tpu.memref_slice %arg9[%dma_wait3A_91, %dma_wait3A_92] : memref<4x128xi32, #tpu.memory_space<vmem>> -> memref<1x128xi32, #tpu.memory_space<vmem>>
    %dma_wait3A_94 = tpu.memref_squeeze %dma_wait3A_93 : memref<1x128xi32, #tpu.memory_space<vmem>> -> memref<128xi32, #tpu.memory_space<vmem>>
    %dma_wait3A_95 = arith.constant 0 : i32
    %dma_wait3A_96 = arith.constant 0 : i32
    %dma_wait3A_97 = tpu.memref_slice %arg5[%dma_wait3A_95, %dma_wait3A_96] : memref<1000000x128xf32, #tpu.memory_space<hbm>> -> memref<1000000x128xf32, #tpu.memory_space<hbm>>
    tpu.wait_indirect_dma semaphore(%arg19 : memref<!tpu.dma_semaphore, #tpu.memory_space<semaphore_mem>>) src(%dma_wait3A_97 : memref<1000000x128xf32, #tpu.memory_space<hbm>>) dst(%arg13 : memref<128x128xf32, #tpu.memory_space<vmem>>)
    %dma_start3A_98 = arith.constant 2 : i32
    %dma_start3A_99 = arith.constant 0 : i32
    %dma_start3A_100 = tpu.memref_slice %arg8[%dma_start3A_98, %dma_start3A_99] : memref<4x128xi32, #tpu.memory_space<vmem>> -> memref<1x128xi32, #tpu.memory_space<vmem>>
    %dma_start3A_101 = tpu.memref_squeeze %dma_start3A_100 : memref<1x128xi32, #tpu.memory_space<vmem>> -> memref<128xi32, #tpu.memory_space<vmem>>
    %dma_start3A_102 = arith.constant 0 : i32
    %dma_start3A_103 = arith.constant 0 : i32
    %dma_start3A_104 = tpu.memref_slice %arg4[%dma_start3A_102, %dma_start3A_103] : memref<1000000x128xf32, #tpu.memory_space<hbm>> -> memref<1000000x128xf32, #tpu.memory_space<hbm>>
    tpu.enqueue_indirect_dma source(%dma_start3A_104 : memref<1000000x128xf32, #tpu.memory_space<hbm>>) target(%arg10 : memref<128x128xf32, #tpu.memory_space<vmem>>) offsets(%dma_start3A_101 : memref<128xi32, #tpu.memory_space<vmem>>) semaphore(%arg16 : memref<!tpu.dma_semaphore, #tpu.memory_space<semaphore_mem>>)
    %dma_start3A_105 = arith.constant 2 : i32
    %dma_start3A_106 = arith.constant 0 : i32
    %dma_start3A_107 = tpu.memref_slice %arg9[%dma_start3A_105, %dma_start3A_106] : memref<4x128xi32, #tpu.memory_space<vmem>> -> memref<1x128xi32, #tpu.memory_space<vmem>>
    %dma_start3A_108 = tpu.memref_squeeze %dma_start3A_107 : memref<1x128xi32, #tpu.memory_space<vmem>> -> memref<128xi32, #tpu.memory_space<vmem>>
    %dma_start3A_109 = arith.constant 0 : i32
    %dma_start3A_110 = arith.constant 0 : i32
    %dma_start3A_111 = tpu.memref_slice %arg5[%dma_start3A_109, %dma_start3A_110] : memref<1000000x128xf32, #tpu.memory_space<hbm>> -> memref<1000000x128xf32, #tpu.memory_space<hbm>>
    tpu.enqueue_indirect_dma source(%dma_start3A_111 : memref<1000000x128xf32, #tpu.memory_space<hbm>>) target(%arg12 : memref<128x128xf32, #tpu.memory_space<vmem>>) offsets(%dma_start3A_108 : memref<128xi32, #tpu.memory_space<vmem>>) semaphore(%arg18 : memref<!tpu.dma_semaphore, #tpu.memory_space<semaphore_mem>>)
    %broadcast_in_dim3A_112 = arith.constant 0.000000e+00 : f32
    %broadcast_in_dim3A_113 = vector.broadcast %broadcast_in_dim3A_112 : f32 to vector<16xf32>
    %broadcast_in_dim3A_114 = arith.constant 0.000000e+00 : f32
    %broadcast_in_dim3A_115 = vector.broadcast %broadcast_in_dim3A_114 : f32 to vector<16xf32>
    %broadcast_in_dim3A_116 = arith.constant 0.000000e+00 : f32
    %broadcast_in_dim3A_117 = vector.broadcast %broadcast_in_dim3A_116 : f32 to vector<16xf32>
    %broadcast_in_dim3A_118 = arith.constant 0.000000e+00 : f32
    %broadcast_in_dim3A_119 = vector.broadcast %broadcast_in_dim3A_118 : f32 to vector<16xf32>
    %broadcast_in_dim3A_120 = arith.constant 0.000000e+00 : f32
    %broadcast_in_dim3A_121 = vector.broadcast %broadcast_in_dim3A_120 : f32 to vector<16xf32>
    %broadcast_in_dim3A_122 = arith.constant 0.000000e+00 : f32
    %broadcast_in_dim3A_123 = vector.broadcast %broadcast_in_dim3A_122 : f32 to vector<16xf32>
    %broadcast_in_dim3A_124 = arith.constant 0.000000e+00 : f32
    %broadcast_in_dim3A_125 = vector.broadcast %broadcast_in_dim3A_124 : f32 to vector<16xf32>
    %broadcast_in_dim3A_126 = arith.constant 0.000000e+00 : f32
    %broadcast_in_dim3A_127 = vector.broadcast %broadcast_in_dim3A_126 : f32 to vector<16xf32>
    %parallel_loop3A_128 = arith.constant 0 : i32
    %parallel_loop3A_129 = arith.constant 128 : i32
    %parallel_loop3A_130 = arith.constant 1 : i32
    %parallel_loop3A_131:8 = scf.for %parallel_loop3A_288 = %parallel_loop3A_128 to %parallel_loop3A_129 step %parallel_loop3A_130 iter_args(%parallel_loop3A_289 = %broadcast_in_dim3A_113, %parallel_loop3A_290 = %broadcast_in_dim3A_115, %parallel_loop3A_291 = %broadcast_in_dim3A_117, %parallel_loop3A_292 = %broadcast_in_dim3A_119, %parallel_loop3A_293 = %broadcast_in_dim3A_121, %parallel_loop3A_294 = %broadcast_in_dim3A_123, %parallel_loop3A_295 = %broadcast_in_dim3A_125, %parallel_loop3A_296 = %broadcast_in_dim3A_127) -> (vector<16xf32>, vector<16xf32>, vector<16xf32>, vector<16xf32>, vector<16xf32>, vector<16xf32>, vector<16xf32>, vector<16xf32>)  : i32 {
      %parallel_loop3A_297 = vector.broadcast %parallel_loop3A_288 : i32 to vector<16xi32>
      %parallel_loop3A_298 = arith.addi %parallel_loop3A_297, %iota3A : vector<16xi32>
      %parallel_loop3A_299 = arith.constant 127 : i32
      %parallel_loop3A_300 = vector.broadcast %parallel_loop3A_299 : i32 to vector<16xi32>
      %parallel_loop3A_301 = arith.andi %parallel_loop3A_298, %parallel_loop3A_300 : vector<16xi32>
      %parallel_loop3A_302 = tpu.vector_load_idx %arg14[%parallel_loop3A_301] : memref<136xf32, #tpu.memory_space<vmem>>[vector<16xi32>], vector<16xf32>,
      %parallel_loop3A_303 = arith.constant 0 : i32
      %parallel_loop3A_304 = vector.broadcast %parallel_loop3A_303 : i32 to vector<16xi32>
      %parallel_loop3A_305 = arith.addi %parallel_loop3A_304, %iota3A : vector<16xi32>
      %parallel_loop3A_306 = tpu.vector_load_idx %arg11[%parallel_loop3A_305, %parallel_loop3A_301] : memref<128x128xf32, #tpu.memory_space<vmem>>[vector<16xi32>, vector<16xi32>], vector<16xf32>,
      %parallel_loop3A_307 = tpu.vector_load_idx %arg13[%parallel_loop3A_305, %parallel_loop3A_301] : memref<128x128xf32, #tpu.memory_space<vmem>>[vector<16xi32>, vector<16xi32>], vector<16xf32>,
      %parallel_loop3A_308 = arith.mulf %parallel_loop3A_306, %parallel_loop3A_307 : vector<16xf32>
      %parallel_loop3A_309 = arith.mulf %parallel_loop3A_308, %parallel_loop3A_302 : vector<16xf32>
      %parallel_loop3A_310 = arith.addf %parallel_loop3A_289, %parallel_loop3A_309 : vector<16xf32>
      %parallel_loop3A_311 = arith.constant 16 : i32
      %parallel_loop3A_312 = vector.broadcast %parallel_loop3A_311 : i32 to vector<16xi32>
      %parallel_loop3A_313 = arith.addi %parallel_loop3A_312, %iota3A : vector<16xi32>
      %parallel_loop3A_314 = tpu.vector_load_idx %arg11[%parallel_loop3A_313, %parallel_loop3A_301] : memref<128x128xf32, #tpu.memory_space<vmem>>[vector<16xi32>, vector<16xi32>], vector<16xf32>,
      %parallel_loop3A_315 = tpu.vector_load_idx %arg13[%parallel_loop3A_313, %parallel_loop3A_301] : memref<128x128xf32, #tpu.memory_space<vmem>>[vector<16xi32>, vector<16xi32>], vector<16xf32>,
      %parallel_loop3A_316 = arith.mulf %parallel_loop3A_314, %parallel_loop3A_315 : vector<16xf32>
      %parallel_loop3A_317 = arith.mulf %parallel_loop3A_316, %parallel_loop3A_302 : vector<16xf32>
      %parallel_loop3A_318 = arith.addf %parallel_loop3A_290, %parallel_loop3A_317 : vector<16xf32>
      %parallel_loop3A_319 = arith.constant 32 : i32
      %parallel_loop3A_320 = vector.broadcast %parallel_loop3A_319 : i32 to vector<16xi32>
      %parallel_loop3A_321 = arith.addi %parallel_loop3A_320, %iota3A : vector<16xi32>
      %parallel_loop3A_322 = tpu.vector_load_idx %arg11[%parallel_loop3A_321, %parallel_loop3A_301] : memref<128x128xf32, #tpu.memory_space<vmem>>[vector<16xi32>, vector<16xi32>], vector<16xf32>,
      %parallel_loop3A_323 = tpu.vector_load_idx %arg13[%parallel_loop3A_321, %parallel_loop3A_301] : memref<128x128xf32, #tpu.memory_space<vmem>>[vector<16xi32>, vector<16xi32>], vector<16xf32>,
      %parallel_loop3A_324 = arith.mulf %parallel_loop3A_322, %parallel_loop3A_323 : vector<16xf32>
      %parallel_loop3A_325 = arith.mulf %parallel_loop3A_324, %parallel_loop3A_302 : vector<16xf32>
      %parallel_loop3A_326 = arith.addf %parallel_loop3A_291, %parallel_loop3A_325 : vector<16xf32>
      %parallel_loop3A_327 = arith.constant 48 : i32
      %parallel_loop3A_328 = vector.broadcast %parallel_loop3A_327 : i32 to vector<16xi32>
      %parallel_loop3A_329 = arith.addi %parallel_loop3A_328, %iota3A : vector<16xi32>
      %parallel_loop3A_330 = tpu.vector_load_idx %arg11[%parallel_loop3A_329, %parallel_loop3A_301] : memref<128x128xf32, #tpu.memory_space<vmem>>[vector<16xi32>, vector<16xi32>], vector<16xf32>,
      %parallel_loop3A_331 = tpu.vector_load_idx %arg13[%parallel_loop3A_329, %parallel_loop3A_301] : memref<128x128xf32, #tpu.memory_space<vmem>>[vector<16xi32>, vector<16xi32>], vector<16xf32>,
      %parallel_loop3A_332 = arith.mulf %parallel_loop3A_330, %parallel_loop3A_331 : vector<16xf32>
      %parallel_loop3A_333 = arith.mulf %parallel_loop3A_332, %parallel_loop3A_302 : vector<16xf32>
      %parallel_loop3A_334 = arith.addf %parallel_loop3A_292, %parallel_loop3A_333 : vector<16xf32>
      %parallel_loop3A_335 = arith.constant 64 : i32
      %parallel_loop3A_336 = vector.broadcast %parallel_loop3A_335 : i32 to vector<16xi32>
      %parallel_loop3A_337 = arith.addi %parallel_loop3A_336, %iota3A : vector<16xi32>
      %parallel_loop3A_338 = tpu.vector_load_idx %arg11[%parallel_loop3A_337, %parallel_loop3A_301] : memref<128x128xf32, #tpu.memory_space<vmem>>[vector<16xi32>, vector<16xi32>], vector<16xf32>,
      %parallel_loop3A_339 = tpu.vector_load_idx %arg13[%parallel_loop3A_337, %parallel_loop3A_301] : memref<128x128xf32, #tpu.memory_space<vmem>>[vector<16xi32>, vector<16xi32>], vector<16xf32>,
      %parallel_loop3A_340 = arith.mulf %parallel_loop3A_338, %parallel_loop3A_339 : vector<16xf32>
      %parallel_loop3A_341 = arith.mulf %parallel_loop3A_340, %parallel_loop3A_302 : vector<16xf32>
      %parallel_loop3A_342 = arith.addf %parallel_loop3A_293, %parallel_loop3A_341 : vector<16xf32>
      %parallel_loop3A_343 = arith.constant 80 : i32
      %parallel_loop3A_344 = vector.broadcast %parallel_loop3A_343 : i32 to vector<16xi32>
      %parallel_loop3A_345 = arith.addi %parallel_loop3A_344, %iota3A : vector<16xi32>
      %parallel_loop3A_346 = tpu.vector_load_idx %arg11[%parallel_loop3A_345, %parallel_loop3A_301] : memref<128x128xf32, #tpu.memory_space<vmem>>[vector<16xi32>, vector<16xi32>], vector<16xf32>,
      %parallel_loop3A_347 = tpu.vector_load_idx %arg13[%parallel_loop3A_345, %parallel_loop3A_301] : memref<128x128xf32, #tpu.memory_space<vmem>>[vector<16xi32>, vector<16xi32>], vector<16xf32>,
      %parallel_loop3A_348 = arith.mulf %parallel_loop3A_346, %parallel_loop3A_347 : vector<16xf32>
      %parallel_loop3A_349 = arith.mulf %parallel_loop3A_348, %parallel_loop3A_302 : vector<16xf32>
      %parallel_loop3A_350 = arith.addf %parallel_loop3A_294, %parallel_loop3A_349 : vector<16xf32>
      %parallel_loop3A_351 = arith.constant 96 : i32
      %parallel_loop3A_352 = vector.broadcast %parallel_loop3A_351 : i32 to vector<16xi32>
      %parallel_loop3A_353 = arith.addi %parallel_loop3A_352, %iota3A : vector<16xi32>
      %parallel_loop3A_354 = tpu.vector_load_idx %arg11[%parallel_loop3A_353, %parallel_loop3A_301] : memref<128x128xf32, #tpu.memory_space<vmem>>[vector<16xi32>, vector<16xi32>], vector<16xf32>,
      %parallel_loop3A_355 = tpu.vector_load_idx %arg13[%parallel_loop3A_353, %parallel_loop3A_301] : memref<128x128xf32, #tpu.memory_space<vmem>>[vector<16xi32>, vector<16xi32>], vector<16xf32>,
      %parallel_loop3A_356 = arith.mulf %parallel_loop3A_354, %parallel_loop3A_355 : vector<16xf32>
      %parallel_loop3A_357 = arith.mulf %parallel_loop3A_356, %parallel_loop3A_302 : vector<16xf32>
      %parallel_loop3A_358 = arith.addf %parallel_loop3A_295, %parallel_loop3A_357 : vector<16xf32>
      %parallel_loop3A_359 = arith.constant 112 : i32
      %parallel_loop3A_360 = vector.broadcast %parallel_loop3A_359 : i32 to vector<16xi32>
      %parallel_loop3A_361 = arith.addi %parallel_loop3A_360, %iota3A : vector<16xi32>
      %parallel_loop3A_362 = tpu.vector_load_idx %arg11[%parallel_loop3A_361, %parallel_loop3A_301] : memref<128x128xf32, #tpu.memory_space<vmem>>[vector<16xi32>, vector<16xi32>], vector<16xf32>,
      %parallel_loop3A_363 = tpu.vector_load_idx %arg13[%parallel_loop3A_361, %parallel_loop3A_301] : memref<128x128xf32, #tpu.memory_space<vmem>>[vector<16xi32>, vector<16xi32>], vector<16xf32>,
      %parallel_loop3A_364 = arith.mulf %parallel_loop3A_362, %parallel_loop3A_363 : vector<16xf32>
      %parallel_loop3A_365 = arith.mulf %parallel_loop3A_364, %parallel_loop3A_302 : vector<16xf32>
      %parallel_loop3A_366 = arith.addf %parallel_loop3A_296, %parallel_loop3A_365 : vector<16xf32>
      scf.yield %parallel_loop3A_310, %parallel_loop3A_318, %parallel_loop3A_326, %parallel_loop3A_334, %parallel_loop3A_342, %parallel_loop3A_350, %parallel_loop3A_358, %parallel_loop3A_366 : vector<16xf32>, vector<16xf32>, vector<16xf32>, vector<16xf32>, vector<16xf32>, vector<16xf32>, vector<16xf32>, vector<16xf32>
    } {sc.loop_unroll_factor = 4 : i64, sc.parallel_access}
    %add3A_132 = arith.addf %parallel_loop3A_131#0, %gather3A : vector<16xf32>
    %swap3A_133 = arith.constant 128 : index
    %swap3A_134 = tpu.vector_load %arg15[%swap3A_133] {strides = array<i32>} : memref<512xf32, #tpu.memory_space<vmem>>, vector<16xf32>,
    tpu.vector_store %arg15[%swap3A_133], %add3A_132 {strides = array<i32>} : memref<512xf32, #tpu.memory_space<vmem>>, vector<16xf32>,
    %add3A_135 = arith.addf %parallel_loop3A_131#1, %gather3A : vector<16xf32>
    %swap3A_136 = arith.constant 144 : index
    %swap3A_137 = tpu.vector_load %arg15[%swap3A_136] {strides = array<i32>} : memref<512xf32, #tpu.memory_space<vmem>>, vector<16xf32>,
    tpu.vector_store %arg15[%swap3A_136], %add3A_135 {strides = array<i32>} : memref<512xf32, #tpu.memory_space<vmem>>, vector<16xf32>,
    %add3A_138 = arith.addf %parallel_loop3A_131#2, %gather3A : vector<16xf32>
    %swap3A_139 = arith.constant 160 : index
    %swap3A_140 = tpu.vector_load %arg15[%swap3A_139] {strides = array<i32>} : memref<512xf32, #tpu.memory_space<vmem>>, vector<16xf32>,
    tpu.vector_store %arg15[%swap3A_139], %add3A_138 {strides = array<i32>} : memref<512xf32, #tpu.memory_space<vmem>>, vector<16xf32>,
    %add3A_141 = arith.addf %parallel_loop3A_131#3, %gather3A : vector<16xf32>
    %swap3A_142 = arith.constant 176 : index
    %swap3A_143 = tpu.vector_load %arg15[%swap3A_142] {strides = array<i32>} : memref<512xf32, #tpu.memory_space<vmem>>, vector<16xf32>,
    tpu.vector_store %arg15[%swap3A_142], %add3A_141 {strides = array<i32>} : memref<512xf32, #tpu.memory_space<vmem>>, vector<16xf32>,
    %add3A_144 = arith.addf %parallel_loop3A_131#4, %gather3A : vector<16xf32>
    %swap3A_145 = arith.constant 192 : index
    %swap3A_146 = tpu.vector_load %arg15[%swap3A_145] {strides = array<i32>} : memref<512xf32, #tpu.memory_space<vmem>>, vector<16xf32>,
    tpu.vector_store %arg15[%swap3A_145], %add3A_144 {strides = array<i32>} : memref<512xf32, #tpu.memory_space<vmem>>, vector<16xf32>,
    %add3A_147 = arith.addf %parallel_loop3A_131#5, %gather3A : vector<16xf32>
    %swap3A_148 = arith.constant 208 : index
    %swap3A_149 = tpu.vector_load %arg15[%swap3A_148] {strides = array<i32>} : memref<512xf32, #tpu.memory_space<vmem>>, vector<16xf32>,
    tpu.vector_store %arg15[%swap3A_148], %add3A_147 {strides = array<i32>} : memref<512xf32, #tpu.memory_space<vmem>>, vector<16xf32>,
    %add3A_150 = arith.addf %parallel_loop3A_131#6, %gather3A : vector<16xf32>
    %swap3A_151 = arith.constant 224 : index
    %swap3A_152 = tpu.vector_load %arg15[%swap3A_151] {strides = array<i32>} : memref<512xf32, #tpu.memory_space<vmem>>, vector<16xf32>,
    tpu.vector_store %arg15[%swap3A_151], %add3A_150 {strides = array<i32>} : memref<512xf32, #tpu.memory_space<vmem>>, vector<16xf32>,
    %add3A_153 = arith.addf %parallel_loop3A_131#7, %gather3A : vector<16xf32>
    %swap3A_154 = arith.constant 240 : index
    %swap3A_155 = tpu.vector_load %arg15[%swap3A_154] {strides = array<i32>} : memref<512xf32, #tpu.memory_space<vmem>>, vector<16xf32>,
    tpu.vector_store %arg15[%swap3A_154], %add3A_153 {strides = array<i32>} : memref<512xf32, #tpu.memory_space<vmem>>, vector<16xf32>,
    %dma_wait3A_156 = arith.constant 2 : i32
    %dma_wait3A_157 = arith.constant 0 : i32
    %dma_wait3A_158 = tpu.memref_slice %arg8[%dma_wait3A_156, %dma_wait3A_157] : memref<4x128xi32, #tpu.memory_space<vmem>> -> memref<1x128xi32, #tpu.memory_space<vmem>>
    %dma_wait3A_159 = tpu.memref_squeeze %dma_wait3A_158 : memref<1x128xi32, #tpu.memory_space<vmem>> -> memref<128xi32, #tpu.memory_space<vmem>>
    %dma_wait3A_160 = arith.constant 0 : i32
    %dma_wait3A_161 = arith.constant 0 : i32
    %dma_wait3A_162 = tpu.memref_slice %arg4[%dma_wait3A_160, %dma_wait3A_161] : memref<1000000x128xf32, #tpu.memory_space<hbm>> -> memref<1000000x128xf32, #tpu.memory_space<hbm>>
    tpu.wait_indirect_dma semaphore(%arg16 : memref<!tpu.dma_semaphore, #tpu.memory_space<semaphore_mem>>) src(%dma_wait3A_162 : memref<1000000x128xf32, #tpu.memory_space<hbm>>) dst(%arg10 : memref<128x128xf32, #tpu.memory_space<vmem>>)
    %dma_wait3A_163 = arith.constant 2 : i32
    %dma_wait3A_164 = arith.constant 0 : i32
    %dma_wait3A_165 = tpu.memref_slice %arg9[%dma_wait3A_163, %dma_wait3A_164] : memref<4x128xi32, #tpu.memory_space<vmem>> -> memref<1x128xi32, #tpu.memory_space<vmem>>
    %dma_wait3A_166 = tpu.memref_squeeze %dma_wait3A_165 : memref<1x128xi32, #tpu.memory_space<vmem>> -> memref<128xi32, #tpu.memory_space<vmem>>
    %dma_wait3A_167 = arith.constant 0 : i32
    %dma_wait3A_168 = arith.constant 0 : i32
    %dma_wait3A_169 = tpu.memref_slice %arg5[%dma_wait3A_167, %dma_wait3A_168] : memref<1000000x128xf32, #tpu.memory_space<hbm>> -> memref<1000000x128xf32, #tpu.memory_space<hbm>>
    tpu.wait_indirect_dma semaphore(%arg18 : memref<!tpu.dma_semaphore, #tpu.memory_space<semaphore_mem>>) src(%dma_wait3A_169 : memref<1000000x128xf32, #tpu.memory_space<hbm>>) dst(%arg12 : memref<128x128xf32, #tpu.memory_space<vmem>>)
    %dma_start3A_170 = arith.constant 3 : i32
    %dma_start3A_171 = arith.constant 0 : i32
    %dma_start3A_172 = tpu.memref_slice %arg8[%dma_start3A_170, %dma_start3A_171] : memref<4x128xi32, #tpu.memory_space<vmem>> -> memref<1x128xi32, #tpu.memory_space<vmem>>
    %dma_start3A_173 = tpu.memref_squeeze %dma_start3A_172 : memref<1x128xi32, #tpu.memory_space<vmem>> -> memref<128xi32, #tpu.memory_space<vmem>>
    %dma_start3A_174 = arith.constant 0 : i32
    %dma_start3A_175 = arith.constant 0 : i32
    %dma_start3A_176 = tpu.memref_slice %arg4[%dma_start3A_174, %dma_start3A_175] : memref<1000000x128xf32, #tpu.memory_space<hbm>> -> memref<1000000x128xf32, #tpu.memory_space<hbm>>
    tpu.enqueue_indirect_dma source(%dma_start3A_176 : memref<1000000x128xf32, #tpu.memory_space<hbm>>) target(%arg11 : memref<128x128xf32, #tpu.memory_space<vmem>>) offsets(%dma_start3A_173 : memref<128xi32, #tpu.memory_space<vmem>>) semaphore(%arg17 : memref<!tpu.dma_semaphore, #tpu.memory_space<semaphore_mem>>)
    %dma_start3A_177 = arith.constant 3 : i32
    %dma_start3A_178 = arith.constant 0 : i32
    %dma_start3A_179 = tpu.memref_slice %arg9[%dma_start3A_177, %dma_start3A_178] : memref<4x128xi32, #tpu.memory_space<vmem>> -> memref<1x128xi32, #tpu.memory_space<vmem>>
    %dma_start3A_180 = tpu.memref_squeeze %dma_start3A_179 : memref<1x128xi32, #tpu.memory_space<vmem>> -> memref<128xi32, #tpu.memory_space<vmem>>
    %dma_start3A_181 = arith.constant 0 : i32
    %dma_start3A_182 = arith.constant 0 : i32
    %dma_start3A_183 = tpu.memref_slice %arg5[%dma_start3A_181, %dma_start3A_182] : memref<1000000x128xf32, #tpu.memory_space<hbm>> -> memref<1000000x128xf32, #tpu.memory_space<hbm>>
    tpu.enqueue_indirect_dma source(%dma_start3A_183 : memref<1000000x128xf32, #tpu.memory_space<hbm>>) target(%arg13 : memref<128x128xf32, #tpu.memory_space<vmem>>) offsets(%dma_start3A_180 : memref<128xi32, #tpu.memory_space<vmem>>) semaphore(%arg19 : memref<!tpu.dma_semaphore, #tpu.memory_space<semaphore_mem>>)
    %broadcast_in_dim3A_184 = arith.constant 0.000000e+00 : f32
    %broadcast_in_dim3A_185 = vector.broadcast %broadcast_in_dim3A_184 : f32 to vector<16xf32>
    %broadcast_in_dim3A_186 = arith.constant 0.000000e+00 : f32
    %broadcast_in_dim3A_187 = vector.broadcast %broadcast_in_dim3A_186 : f32 to vector<16xf32>
    %broadcast_in_dim3A_188 = arith.constant 0.000000e+00 : f32
    %broadcast_in_dim3A_189 = vector.broadcast %broadcast_in_dim3A_188 : f32 to vector<16xf32>
    %broadcast_in_dim3A_190 = arith.constant 0.000000e+00 : f32
    %broadcast_in_dim3A_191 = vector.broadcast %broadcast_in_dim3A_190 : f32 to vector<16xf32>
    %broadcast_in_dim3A_192 = arith.constant 0.000000e+00 : f32
    %broadcast_in_dim3A_193 = vector.broadcast %broadcast_in_dim3A_192 : f32 to vector<16xf32>
    %broadcast_in_dim3A_194 = arith.constant 0.000000e+00 : f32
    %broadcast_in_dim3A_195 = vector.broadcast %broadcast_in_dim3A_194 : f32 to vector<16xf32>
    %broadcast_in_dim3A_196 = arith.constant 0.000000e+00 : f32
    %broadcast_in_dim3A_197 = vector.broadcast %broadcast_in_dim3A_196 : f32 to vector<16xf32>
    %broadcast_in_dim3A_198 = arith.constant 0.000000e+00 : f32
    %broadcast_in_dim3A_199 = vector.broadcast %broadcast_in_dim3A_198 : f32 to vector<16xf32>
    %parallel_loop3A_200 = arith.constant 0 : i32
    %parallel_loop3A_201 = arith.constant 128 : i32
    %parallel_loop3A_202 = arith.constant 1 : i32
    %parallel_loop3A_203:8 = scf.for %parallel_loop3A_288 = %parallel_loop3A_200 to %parallel_loop3A_201 step %parallel_loop3A_202 iter_args(%parallel_loop3A_289 = %broadcast_in_dim3A_185, %parallel_loop3A_290 = %broadcast_in_dim3A_187, %parallel_loop3A_291 = %broadcast_in_dim3A_189, %parallel_loop3A_292 = %broadcast_in_dim3A_191, %parallel_loop3A_293 = %broadcast_in_dim3A_193, %parallel_loop3A_294 = %broadcast_in_dim3A_195, %parallel_loop3A_295 = %broadcast_in_dim3A_197, %parallel_loop3A_296 = %broadcast_in_dim3A_199) -> (vector<16xf32>, vector<16xf32>, vector<16xf32>, vector<16xf32>, vector<16xf32>, vector<16xf32>, vector<16xf32>, vector<16xf32>)  : i32 {
      %parallel_loop3A_297 = vector.broadcast %parallel_loop3A_288 : i32 to vector<16xi32>
      %parallel_loop3A_298 = arith.addi %parallel_loop3A_297, %iota3A : vector<16xi32>
      %parallel_loop3A_299 = arith.constant 127 : i32
      %parallel_loop3A_300 = vector.broadcast %parallel_loop3A_299 : i32 to vector<16xi32>
      %parallel_loop3A_301 = arith.andi %parallel_loop3A_298, %parallel_loop3A_300 : vector<16xi32>
      %parallel_loop3A_302 = tpu.vector_load_idx %arg14[%parallel_loop3A_301] : memref<136xf32, #tpu.memory_space<vmem>>[vector<16xi32>], vector<16xf32>,
      %parallel_loop3A_303 = arith.constant 0 : i32
      %parallel_loop3A_304 = vector.broadcast %parallel_loop3A_303 : i32 to vector<16xi32>
      %parallel_loop3A_305 = arith.addi %parallel_loop3A_304, %iota3A : vector<16xi32>
      %parallel_loop3A_306 = tpu.vector_load_idx %arg10[%parallel_loop3A_305, %parallel_loop3A_301] : memref<128x128xf32, #tpu.memory_space<vmem>>[vector<16xi32>, vector<16xi32>], vector<16xf32>,
      %parallel_loop3A_307 = tpu.vector_load_idx %arg12[%parallel_loop3A_305, %parallel_loop3A_301] : memref<128x128xf32, #tpu.memory_space<vmem>>[vector<16xi32>, vector<16xi32>], vector<16xf32>,
      %parallel_loop3A_308 = arith.mulf %parallel_loop3A_306, %parallel_loop3A_307 : vector<16xf32>
      %parallel_loop3A_309 = arith.mulf %parallel_loop3A_308, %parallel_loop3A_302 : vector<16xf32>
      %parallel_loop3A_310 = arith.addf %parallel_loop3A_289, %parallel_loop3A_309 : vector<16xf32>
      %parallel_loop3A_311 = arith.constant 16 : i32
      %parallel_loop3A_312 = vector.broadcast %parallel_loop3A_311 : i32 to vector<16xi32>
      %parallel_loop3A_313 = arith.addi %parallel_loop3A_312, %iota3A : vector<16xi32>
      %parallel_loop3A_314 = tpu.vector_load_idx %arg10[%parallel_loop3A_313, %parallel_loop3A_301] : memref<128x128xf32, #tpu.memory_space<vmem>>[vector<16xi32>, vector<16xi32>], vector<16xf32>,
      %parallel_loop3A_315 = tpu.vector_load_idx %arg12[%parallel_loop3A_313, %parallel_loop3A_301] : memref<128x128xf32, #tpu.memory_space<vmem>>[vector<16xi32>, vector<16xi32>], vector<16xf32>,
      %parallel_loop3A_316 = arith.mulf %parallel_loop3A_314, %parallel_loop3A_315 : vector<16xf32>
      %parallel_loop3A_317 = arith.mulf %parallel_loop3A_316, %parallel_loop3A_302 : vector<16xf32>
      %parallel_loop3A_318 = arith.addf %parallel_loop3A_290, %parallel_loop3A_317 : vector<16xf32>
      %parallel_loop3A_319 = arith.constant 32 : i32
      %parallel_loop3A_320 = vector.broadcast %parallel_loop3A_319 : i32 to vector<16xi32>
      %parallel_loop3A_321 = arith.addi %parallel_loop3A_320, %iota3A : vector<16xi32>
      %parallel_loop3A_322 = tpu.vector_load_idx %arg10[%parallel_loop3A_321, %parallel_loop3A_301] : memref<128x128xf32, #tpu.memory_space<vmem>>[vector<16xi32>, vector<16xi32>], vector<16xf32>,
      %parallel_loop3A_323 = tpu.vector_load_idx %arg12[%parallel_loop3A_321, %parallel_loop3A_301] : memref<128x128xf32, #tpu.memory_space<vmem>>[vector<16xi32>, vector<16xi32>], vector<16xf32>,
      %parallel_loop3A_324 = arith.mulf %parallel_loop3A_322, %parallel_loop3A_323 : vector<16xf32>
      %parallel_loop3A_325 = arith.mulf %parallel_loop3A_324, %parallel_loop3A_302 : vector<16xf32>
      %parallel_loop3A_326 = arith.addf %parallel_loop3A_291, %parallel_loop3A_325 : vector<16xf32>
      %parallel_loop3A_327 = arith.constant 48 : i32
      %parallel_loop3A_328 = vector.broadcast %parallel_loop3A_327 : i32 to vector<16xi32>
      %parallel_loop3A_329 = arith.addi %parallel_loop3A_328, %iota3A : vector<16xi32>
      %parallel_loop3A_330 = tpu.vector_load_idx %arg10[%parallel_loop3A_329, %parallel_loop3A_301] : memref<128x128xf32, #tpu.memory_space<vmem>>[vector<16xi32>, vector<16xi32>], vector<16xf32>,
      %parallel_loop3A_331 = tpu.vector_load_idx %arg12[%parallel_loop3A_329, %parallel_loop3A_301] : memref<128x128xf32, #tpu.memory_space<vmem>>[vector<16xi32>, vector<16xi32>], vector<16xf32>,
      %parallel_loop3A_332 = arith.mulf %parallel_loop3A_330, %parallel_loop3A_331 : vector<16xf32>
      %parallel_loop3A_333 = arith.mulf %parallel_loop3A_332, %parallel_loop3A_302 : vector<16xf32>
      %parallel_loop3A_334 = arith.addf %parallel_loop3A_292, %parallel_loop3A_333 : vector<16xf32>
      %parallel_loop3A_335 = arith.constant 64 : i32
      %parallel_loop3A_336 = vector.broadcast %parallel_loop3A_335 : i32 to vector<16xi32>
      %parallel_loop3A_337 = arith.addi %parallel_loop3A_336, %iota3A : vector<16xi32>
      %parallel_loop3A_338 = tpu.vector_load_idx %arg10[%parallel_loop3A_337, %parallel_loop3A_301] : memref<128x128xf32, #tpu.memory_space<vmem>>[vector<16xi32>, vector<16xi32>], vector<16xf32>,
      %parallel_loop3A_339 = tpu.vector_load_idx %arg12[%parallel_loop3A_337, %parallel_loop3A_301] : memref<128x128xf32, #tpu.memory_space<vmem>>[vector<16xi32>, vector<16xi32>], vector<16xf32>,
      %parallel_loop3A_340 = arith.mulf %parallel_loop3A_338, %parallel_loop3A_339 : vector<16xf32>
      %parallel_loop3A_341 = arith.mulf %parallel_loop3A_340, %parallel_loop3A_302 : vector<16xf32>
      %parallel_loop3A_342 = arith.addf %parallel_loop3A_293, %parallel_loop3A_341 : vector<16xf32>
      %parallel_loop3A_343 = arith.constant 80 : i32
      %parallel_loop3A_344 = vector.broadcast %parallel_loop3A_343 : i32 to vector<16xi32>
      %parallel_loop3A_345 = arith.addi %parallel_loop3A_344, %iota3A : vector<16xi32>
      %parallel_loop3A_346 = tpu.vector_load_idx %arg10[%parallel_loop3A_345, %parallel_loop3A_301] : memref<128x128xf32, #tpu.memory_space<vmem>>[vector<16xi32>, vector<16xi32>], vector<16xf32>,
      %parallel_loop3A_347 = tpu.vector_load_idx %arg12[%parallel_loop3A_345, %parallel_loop3A_301] : memref<128x128xf32, #tpu.memory_space<vmem>>[vector<16xi32>, vector<16xi32>], vector<16xf32>,
      %parallel_loop3A_348 = arith.mulf %parallel_loop3A_346, %parallel_loop3A_347 : vector<16xf32>
      %parallel_loop3A_349 = arith.mulf %parallel_loop3A_348, %parallel_loop3A_302 : vector<16xf32>
      %parallel_loop3A_350 = arith.addf %parallel_loop3A_294, %parallel_loop3A_349 : vector<16xf32>
      %parallel_loop3A_351 = arith.constant 96 : i32
      %parallel_loop3A_352 = vector.broadcast %parallel_loop3A_351 : i32 to vector<16xi32>
      %parallel_loop3A_353 = arith.addi %parallel_loop3A_352, %iota3A : vector<16xi32>
      %parallel_loop3A_354 = tpu.vector_load_idx %arg10[%parallel_loop3A_353, %parallel_loop3A_301] : memref<128x128xf32, #tpu.memory_space<vmem>>[vector<16xi32>, vector<16xi32>], vector<16xf32>,
      %parallel_loop3A_355 = tpu.vector_load_idx %arg12[%parallel_loop3A_353, %parallel_loop3A_301] : memref<128x128xf32, #tpu.memory_space<vmem>>[vector<16xi32>, vector<16xi32>], vector<16xf32>,
      %parallel_loop3A_356 = arith.mulf %parallel_loop3A_354, %parallel_loop3A_355 : vector<16xf32>
      %parallel_loop3A_357 = arith.mulf %parallel_loop3A_356, %parallel_loop3A_302 : vector<16xf32>
      %parallel_loop3A_358 = arith.addf %parallel_loop3A_295, %parallel_loop3A_357 : vector<16xf32>
      %parallel_loop3A_359 = arith.constant 112 : i32
      %parallel_loop3A_360 = vector.broadcast %parallel_loop3A_359 : i32 to vector<16xi32>
      %parallel_loop3A_361 = arith.addi %parallel_loop3A_360, %iota3A : vector<16xi32>
      %parallel_loop3A_362 = tpu.vector_load_idx %arg10[%parallel_loop3A_361, %parallel_loop3A_301] : memref<128x128xf32, #tpu.memory_space<vmem>>[vector<16xi32>, vector<16xi32>], vector<16xf32>,
      %parallel_loop3A_363 = tpu.vector_load_idx %arg12[%parallel_loop3A_361, %parallel_loop3A_301] : memref<128x128xf32, #tpu.memory_space<vmem>>[vector<16xi32>, vector<16xi32>], vector<16xf32>,
      %parallel_loop3A_364 = arith.mulf %parallel_loop3A_362, %parallel_loop3A_363 : vector<16xf32>
      %parallel_loop3A_365 = arith.mulf %parallel_loop3A_364, %parallel_loop3A_302 : vector<16xf32>
      %parallel_loop3A_366 = arith.addf %parallel_loop3A_296, %parallel_loop3A_365 : vector<16xf32>
      scf.yield %parallel_loop3A_310, %parallel_loop3A_318, %parallel_loop3A_326, %parallel_loop3A_334, %parallel_loop3A_342, %parallel_loop3A_350, %parallel_loop3A_358, %parallel_loop3A_366 : vector<16xf32>, vector<16xf32>, vector<16xf32>, vector<16xf32>, vector<16xf32>, vector<16xf32>, vector<16xf32>, vector<16xf32>
    } {sc.loop_unroll_factor = 4 : i64, sc.parallel_access}
    %add3A_204 = arith.addf %parallel_loop3A_203#0, %gather3A : vector<16xf32>
    %swap3A_205 = arith.constant 256 : index
    %swap3A_206 = tpu.vector_load %arg15[%swap3A_205] {strides = array<i32>} : memref<512xf32, #tpu.memory_space<vmem>>, vector<16xf32>,
    tpu.vector_store %arg15[%swap3A_205], %add3A_204 {strides = array<i32>} : memref<512xf32, #tpu.memory_space<vmem>>, vector<16xf32>,
    %add3A_207 = arith.addf %parallel_loop3A_203#1, %gather3A : vector<16xf32>
    %swap3A_208 = arith.constant 272 : index
    %swap3A_209 = tpu.vector_load %arg15[%swap3A_208] {strides = array<i32>} : memref<512xf32, #tpu.memory_space<vmem>>, vector<16xf32>,
    tpu.vector_store %arg15[%swap3A_208], %add3A_207 {strides = array<i32>} : memref<512xf32, #tpu.memory_space<vmem>>, vector<16xf32>,
    %add3A_210 = arith.addf %parallel_loop3A_203#2, %gather3A : vector<16xf32>
    %swap3A_211 = arith.constant 288 : index
    %swap3A_212 = tpu.vector_load %arg15[%swap3A_211] {strides = array<i32>} : memref<512xf32, #tpu.memory_space<vmem>>, vector<16xf32>,
    tpu.vector_store %arg15[%swap3A_211], %add3A_210 {strides = array<i32>} : memref<512xf32, #tpu.memory_space<vmem>>, vector<16xf32>,
    %add3A_213 = arith.addf %parallel_loop3A_203#3, %gather3A : vector<16xf32>
    %swap3A_214 = arith.constant 304 : index
    %swap3A_215 = tpu.vector_load %arg15[%swap3A_214] {strides = array<i32>} : memref<512xf32, #tpu.memory_space<vmem>>, vector<16xf32>,
    tpu.vector_store %arg15[%swap3A_214], %add3A_213 {strides = array<i32>} : memref<512xf32, #tpu.memory_space<vmem>>, vector<16xf32>,
    %add3A_216 = arith.addf %parallel_loop3A_203#4, %gather3A : vector<16xf32>
    %swap3A_217 = arith.constant 320 : index
    %swap3A_218 = tpu.vector_load %arg15[%swap3A_217] {strides = array<i32>} : memref<512xf32, #tpu.memory_space<vmem>>, vector<16xf32>,
    tpu.vector_store %arg15[%swap3A_217], %add3A_216 {strides = array<i32>} : memref<512xf32, #tpu.memory_space<vmem>>, vector<16xf32>,
    %add3A_219 = arith.addf %parallel_loop3A_203#5, %gather3A : vector<16xf32>
    %swap3A_220 = arith.constant 336 : index
    %swap3A_221 = tpu.vector_load %arg15[%swap3A_220] {strides = array<i32>} : memref<512xf32, #tpu.memory_space<vmem>>, vector<16xf32>,
    tpu.vector_store %arg15[%swap3A_220], %add3A_219 {strides = array<i32>} : memref<512xf32, #tpu.memory_space<vmem>>, vector<16xf32>,
    %add3A_222 = arith.addf %parallel_loop3A_203#6, %gather3A : vector<16xf32>
    %swap3A_223 = arith.constant 352 : index
    %swap3A_224 = tpu.vector_load %arg15[%swap3A_223] {strides = array<i32>} : memref<512xf32, #tpu.memory_space<vmem>>, vector<16xf32>,
    tpu.vector_store %arg15[%swap3A_223], %add3A_222 {strides = array<i32>} : memref<512xf32, #tpu.memory_space<vmem>>, vector<16xf32>,
    %add3A_225 = arith.addf %parallel_loop3A_203#7, %gather3A : vector<16xf32>
    %swap3A_226 = arith.constant 368 : index
    %swap3A_227 = tpu.vector_load %arg15[%swap3A_226] {strides = array<i32>} : memref<512xf32, #tpu.memory_space<vmem>>, vector<16xf32>,
    tpu.vector_store %arg15[%swap3A_226], %add3A_225 {strides = array<i32>} : memref<512xf32, #tpu.memory_space<vmem>>, vector<16xf32>,
    %dma_wait3A_228 = arith.constant 3 : i32
    %dma_wait3A_229 = arith.constant 0 : i32
    %dma_wait3A_230 = tpu.memref_slice %arg8[%dma_wait3A_228, %dma_wait3A_229] : memref<4x128xi32, #tpu.memory_space<vmem>> -> memref<1x128xi32, #tpu.memory_space<vmem>>
    %dma_wait3A_231 = tpu.memref_squeeze %dma_wait3A_230 : memref<1x128xi32, #tpu.memory_space<vmem>> -> memref<128xi32, #tpu.memory_space<vmem>>
    %dma_wait3A_232 = arith.constant 0 : i32
    %dma_wait3A_233 = arith.constant 0 : i32
    %dma_wait3A_234 = tpu.memref_slice %arg4[%dma_wait3A_232, %dma_wait3A_233] : memref<1000000x128xf32, #tpu.memory_space<hbm>> -> memref<1000000x128xf32, #tpu.memory_space<hbm>>
    tpu.wait_indirect_dma semaphore(%arg17 : memref<!tpu.dma_semaphore, #tpu.memory_space<semaphore_mem>>) src(%dma_wait3A_234 : memref<1000000x128xf32, #tpu.memory_space<hbm>>) dst(%arg11 : memref<128x128xf32, #tpu.memory_space<vmem>>)
    %dma_wait3A_235 = arith.constant 3 : i32
    %dma_wait3A_236 = arith.constant 0 : i32
    %dma_wait3A_237 = tpu.memref_slice %arg9[%dma_wait3A_235, %dma_wait3A_236] : memref<4x128xi32, #tpu.memory_space<vmem>> -> memref<1x128xi32, #tpu.memory_space<vmem>>
    %dma_wait3A_238 = tpu.memref_squeeze %dma_wait3A_237 : memref<1x128xi32, #tpu.memory_space<vmem>> -> memref<128xi32, #tpu.memory_space<vmem>>
    %dma_wait3A_239 = arith.constant 0 : i32
    %dma_wait3A_240 = arith.constant 0 : i32
    %dma_wait3A_241 = tpu.memref_slice %arg5[%dma_wait3A_239, %dma_wait3A_240] : memref<1000000x128xf32, #tpu.memory_space<hbm>> -> memref<1000000x128xf32, #tpu.memory_space<hbm>>
    tpu.wait_indirect_dma semaphore(%arg19 : memref<!tpu.dma_semaphore, #tpu.memory_space<semaphore_mem>>) src(%dma_wait3A_241 : memref<1000000x128xf32, #tpu.memory_space<hbm>>) dst(%arg13 : memref<128x128xf32, #tpu.memory_space<vmem>>)
    %broadcast_in_dim3A_242 = arith.constant 0.000000e+00 : f32
    %broadcast_in_dim3A_243 = vector.broadcast %broadcast_in_dim3A_242 : f32 to vector<16xf32>
    %broadcast_in_dim3A_244 = arith.constant 0.000000e+00 : f32
    %broadcast_in_dim3A_245 = vector.broadcast %broadcast_in_dim3A_244 : f32 to vector<16xf32>
    %broadcast_in_dim3A_246 = arith.constant 0.000000e+00 : f32
    %broadcast_in_dim3A_247 = vector.broadcast %broadcast_in_dim3A_246 : f32 to vector<16xf32>
    %broadcast_in_dim3A_248 = arith.constant 0.000000e+00 : f32
    %broadcast_in_dim3A_249 = vector.broadcast %broadcast_in_dim3A_248 : f32 to vector<16xf32>
    %broadcast_in_dim3A_250 = arith.constant 0.000000e+00 : f32
    %broadcast_in_dim3A_251 = vector.broadcast %broadcast_in_dim3A_250 : f32 to vector<16xf32>
    %broadcast_in_dim3A_252 = arith.constant 0.000000e+00 : f32
    %broadcast_in_dim3A_253 = vector.broadcast %broadcast_in_dim3A_252 : f32 to vector<16xf32>
    %broadcast_in_dim3A_254 = arith.constant 0.000000e+00 : f32
    %broadcast_in_dim3A_255 = vector.broadcast %broadcast_in_dim3A_254 : f32 to vector<16xf32>
    %broadcast_in_dim3A_256 = arith.constant 0.000000e+00 : f32
    %broadcast_in_dim3A_257 = vector.broadcast %broadcast_in_dim3A_256 : f32 to vector<16xf32>
    %parallel_loop3A_258 = arith.constant 0 : i32
    %parallel_loop3A_259 = arith.constant 128 : i32
    %parallel_loop3A_260 = arith.constant 1 : i32
    %parallel_loop3A_261:8 = scf.for %parallel_loop3A_288 = %parallel_loop3A_258 to %parallel_loop3A_259 step %parallel_loop3A_260 iter_args(%parallel_loop3A_289 = %broadcast_in_dim3A_243, %parallel_loop3A_290 = %broadcast_in_dim3A_245, %parallel_loop3A_291 = %broadcast_in_dim3A_247, %parallel_loop3A_292 = %broadcast_in_dim3A_249, %parallel_loop3A_293 = %broadcast_in_dim3A_251, %parallel_loop3A_294 = %broadcast_in_dim3A_253, %parallel_loop3A_295 = %broadcast_in_dim3A_255, %parallel_loop3A_296 = %broadcast_in_dim3A_257) -> (vector<16xf32>, vector<16xf32>, vector<16xf32>, vector<16xf32>, vector<16xf32>, vector<16xf32>, vector<16xf32>, vector<16xf32>)  : i32 {
      %parallel_loop3A_297 = vector.broadcast %parallel_loop3A_288 : i32 to vector<16xi32>
      %parallel_loop3A_298 = arith.addi %parallel_loop3A_297, %iota3A : vector<16xi32>
      %parallel_loop3A_299 = arith.constant 127 : i32
      %parallel_loop3A_300 = vector.broadcast %parallel_loop3A_299 : i32 to vector<16xi32>
      %parallel_loop3A_301 = arith.andi %parallel_loop3A_298, %parallel_loop3A_300 : vector<16xi32>
      %parallel_loop3A_302 = tpu.vector_load_idx %arg14[%parallel_loop3A_301] : memref<136xf32, #tpu.memory_space<vmem>>[vector<16xi32>], vector<16xf32>,
      %parallel_loop3A_303 = arith.constant 0 : i32
      %parallel_loop3A_304 = vector.broadcast %parallel_loop3A_303 : i32 to vector<16xi32>
      %parallel_loop3A_305 = arith.addi %parallel_loop3A_304, %iota3A : vector<16xi32>
      %parallel_loop3A_306 = tpu.vector_load_idx %arg11[%parallel_loop3A_305, %parallel_loop3A_301] : memref<128x128xf32, #tpu.memory_space<vmem>>[vector<16xi32>, vector<16xi32>], vector<16xf32>,
      %parallel_loop3A_307 = tpu.vector_load_idx %arg13[%parallel_loop3A_305, %parallel_loop3A_301] : memref<128x128xf32, #tpu.memory_space<vmem>>[vector<16xi32>, vector<16xi32>], vector<16xf32>,
      %parallel_loop3A_308 = arith.mulf %parallel_loop3A_306, %parallel_loop3A_307 : vector<16xf32>
      %parallel_loop3A_309 = arith.mulf %parallel_loop3A_308, %parallel_loop3A_302 : vector<16xf32>
      %parallel_loop3A_310 = arith.addf %parallel_loop3A_289, %parallel_loop3A_309 : vector<16xf32>
      %parallel_loop3A_311 = arith.constant 16 : i32
      %parallel_loop3A_312 = vector.broadcast %parallel_loop3A_311 : i32 to vector<16xi32>
      %parallel_loop3A_313 = arith.addi %parallel_loop3A_312, %iota3A : vector<16xi32>
      %parallel_loop3A_314 = tpu.vector_load_idx %arg11[%parallel_loop3A_313, %parallel_loop3A_301] : memref<128x128xf32, #tpu.memory_space<vmem>>[vector<16xi32>, vector<16xi32>], vector<16xf32>,
      %parallel_loop3A_315 = tpu.vector_load_idx %arg13[%parallel_loop3A_313, %parallel_loop3A_301] : memref<128x128xf32, #tpu.memory_space<vmem>>[vector<16xi32>, vector<16xi32>], vector<16xf32>,
      %parallel_loop3A_316 = arith.mulf %parallel_loop3A_314, %parallel_loop3A_315 : vector<16xf32>
      %parallel_loop3A_317 = arith.mulf %parallel_loop3A_316, %parallel_loop3A_302 : vector<16xf32>
      %parallel_loop3A_318 = arith.addf %parallel_loop3A_290, %parallel_loop3A_317 : vector<16xf32>
      %parallel_loop3A_319 = arith.constant 32 : i32
      %parallel_loop3A_320 = vector.broadcast %parallel_loop3A_319 : i32 to vector<16xi32>
      %parallel_loop3A_321 = arith.addi %parallel_loop3A_320, %iota3A : vector<16xi32>
      %parallel_loop3A_322 = tpu.vector_load_idx %arg11[%parallel_loop3A_321, %parallel_loop3A_301] : memref<128x128xf32, #tpu.memory_space<vmem>>[vector<16xi32>, vector<16xi32>], vector<16xf32>,
      %parallel_loop3A_323 = tpu.vector_load_idx %arg13[%parallel_loop3A_321, %parallel_loop3A_301] : memref<128x128xf32, #tpu.memory_space<vmem>>[vector<16xi32>, vector<16xi32>], vector<16xf32>,
      %parallel_loop3A_324 = arith.mulf %parallel_loop3A_322, %parallel_loop3A_323 : vector<16xf32>
      %parallel_loop3A_325 = arith.mulf %parallel_loop3A_324, %parallel_loop3A_302 : vector<16xf32>
      %parallel_loop3A_326 = arith.addf %parallel_loop3A_291, %parallel_loop3A_325 : vector<16xf32>
      %parallel_loop3A_327 = arith.constant 48 : i32
      %parallel_loop3A_328 = vector.broadcast %parallel_loop3A_327 : i32 to vector<16xi32>
      %parallel_loop3A_329 = arith.addi %parallel_loop3A_328, %iota3A : vector<16xi32>
      %parallel_loop3A_330 = tpu.vector_load_idx %arg11[%parallel_loop3A_329, %parallel_loop3A_301] : memref<128x128xf32, #tpu.memory_space<vmem>>[vector<16xi32>, vector<16xi32>], vector<16xf32>,
      %parallel_loop3A_331 = tpu.vector_load_idx %arg13[%parallel_loop3A_329, %parallel_loop3A_301] : memref<128x128xf32, #tpu.memory_space<vmem>>[vector<16xi32>, vector<16xi32>], vector<16xf32>,
      %parallel_loop3A_332 = arith.mulf %parallel_loop3A_330, %parallel_loop3A_331 : vector<16xf32>
      %parallel_loop3A_333 = arith.mulf %parallel_loop3A_332, %parallel_loop3A_302 : vector<16xf32>
      %parallel_loop3A_334 = arith.addf %parallel_loop3A_292, %parallel_loop3A_333 : vector<16xf32>
      %parallel_loop3A_335 = arith.constant 64 : i32
      %parallel_loop3A_336 = vector.broadcast %parallel_loop3A_335 : i32 to vector<16xi32>
      %parallel_loop3A_337 = arith.addi %parallel_loop3A_336, %iota3A : vector<16xi32>
      %parallel_loop3A_338 = tpu.vector_load_idx %arg11[%parallel_loop3A_337, %parallel_loop3A_301] : memref<128x128xf32, #tpu.memory_space<vmem>>[vector<16xi32>, vector<16xi32>], vector<16xf32>,
      %parallel_loop3A_339 = tpu.vector_load_idx %arg13[%parallel_loop3A_337, %parallel_loop3A_301] : memref<128x128xf32, #tpu.memory_space<vmem>>[vector<16xi32>, vector<16xi32>], vector<16xf32>,
      %parallel_loop3A_340 = arith.mulf %parallel_loop3A_338, %parallel_loop3A_339 : vector<16xf32>
      %parallel_loop3A_341 = arith.mulf %parallel_loop3A_340, %parallel_loop3A_302 : vector<16xf32>
      %parallel_loop3A_342 = arith.addf %parallel_loop3A_293, %parallel_loop3A_341 : vector<16xf32>
      %parallel_loop3A_343 = arith.constant 80 : i32
      %parallel_loop3A_344 = vector.broadcast %parallel_loop3A_343 : i32 to vector<16xi32>
      %parallel_loop3A_345 = arith.addi %parallel_loop3A_344, %iota3A : vector<16xi32>
      %parallel_loop3A_346 = tpu.vector_load_idx %arg11[%parallel_loop3A_345, %parallel_loop3A_301] : memref<128x128xf32, #tpu.memory_space<vmem>>[vector<16xi32>, vector<16xi32>], vector<16xf32>,
      %parallel_loop3A_347 = tpu.vector_load_idx %arg13[%parallel_loop3A_345, %parallel_loop3A_301] : memref<128x128xf32, #tpu.memory_space<vmem>>[vector<16xi32>, vector<16xi32>], vector<16xf32>,
      %parallel_loop3A_348 = arith.mulf %parallel_loop3A_346, %parallel_loop3A_347 : vector<16xf32>
      %parallel_loop3A_349 = arith.mulf %parallel_loop3A_348, %parallel_loop3A_302 : vector<16xf32>
      %parallel_loop3A_350 = arith.addf %parallel_loop3A_294, %parallel_loop3A_349 : vector<16xf32>
      %parallel_loop3A_351 = arith.constant 96 : i32
      %parallel_loop3A_352 = vector.broadcast %parallel_loop3A_351 : i32 to vector<16xi32>
      %parallel_loop3A_353 = arith.addi %parallel_loop3A_352, %iota3A : vector<16xi32>
      %parallel_loop3A_354 = tpu.vector_load_idx %arg11[%parallel_loop3A_353, %parallel_loop3A_301] : memref<128x128xf32, #tpu.memory_space<vmem>>[vector<16xi32>, vector<16xi32>], vector<16xf32>,
      %parallel_loop3A_355 = tpu.vector_load_idx %arg13[%parallel_loop3A_353, %parallel_loop3A_301] : memref<128x128xf32, #tpu.memory_space<vmem>>[vector<16xi32>, vector<16xi32>], vector<16xf32>,
      %parallel_loop3A_356 = arith.mulf %parallel_loop3A_354, %parallel_loop3A_355 : vector<16xf32>
      %parallel_loop3A_357 = arith.mulf %parallel_loop3A_356, %parallel_loop3A_302 : vector<16xf32>
      %parallel_loop3A_358 = arith.addf %parallel_loop3A_295, %parallel_loop3A_357 : vector<16xf32>
      %parallel_loop3A_359 = arith.constant 112 : i32
      %parallel_loop3A_360 = vector.broadcast %parallel_loop3A_359 : i32 to vector<16xi32>
      %parallel_loop3A_361 = arith.addi %parallel_loop3A_360, %iota3A : vector<16xi32>
      %parallel_loop3A_362 = tpu.vector_load_idx %arg11[%parallel_loop3A_361, %parallel_loop3A_301] : memref<128x128xf32, #tpu.memory_space<vmem>>[vector<16xi32>, vector<16xi32>], vector<16xf32>,
      %parallel_loop3A_363 = tpu.vector_load_idx %arg13[%parallel_loop3A_361, %parallel_loop3A_301] : memref<128x128xf32, #tpu.memory_space<vmem>>[vector<16xi32>, vector<16xi32>], vector<16xf32>,
      %parallel_loop3A_364 = arith.mulf %parallel_loop3A_362, %parallel_loop3A_363 : vector<16xf32>
      %parallel_loop3A_365 = arith.mulf %parallel_loop3A_364, %parallel_loop3A_302 : vector<16xf32>
      %parallel_loop3A_366 = arith.addf %parallel_loop3A_296, %parallel_loop3A_365 : vector<16xf32>
      scf.yield %parallel_loop3A_310, %parallel_loop3A_318, %parallel_loop3A_326, %parallel_loop3A_334, %parallel_loop3A_342, %parallel_loop3A_350, %parallel_loop3A_358, %parallel_loop3A_366 : vector<16xf32>, vector<16xf32>, vector<16xf32>, vector<16xf32>, vector<16xf32>, vector<16xf32>, vector<16xf32>, vector<16xf32>
    } {sc.loop_unroll_factor = 4 : i64, sc.parallel_access}
    %add3A_262 = arith.addf %parallel_loop3A_261#0, %gather3A : vector<16xf32>
    %swap3A_263 = arith.constant 384 : index
    %swap3A_264 = tpu.vector_load %arg15[%swap3A_263] {strides = array<i32>} : memref<512xf32, #tpu.memory_space<vmem>>, vector<16xf32>,
    tpu.vector_store %arg15[%swap3A_263], %add3A_262 {strides = array<i32>} : memref<512xf32, #tpu.memory_space<vmem>>, vector<16xf32>,
    %add3A_265 = arith.addf %parallel_loop3A_261#1, %gather3A : vector<16xf32>
    %swap3A_266 = arith.constant 400 : index
    %swap3A_267 = tpu.vector_load %arg15[%swap3A_266] {strides = array<i32>} : memref<512xf32, #tpu.memory_space<vmem>>, vector<16xf32>,
    tpu.vector_store %arg15[%swap3A_266], %add3A_265 {strides = array<i32>} : memref<512xf32, #tpu.memory_space<vmem>>, vector<16xf32>,
    %add3A_268 = arith.addf %parallel_loop3A_261#2, %gather3A : vector<16xf32>
    %swap3A_269 = arith.constant 416 : index
    %swap3A_270 = tpu.vector_load %arg15[%swap3A_269] {strides = array<i32>} : memref<512xf32, #tpu.memory_space<vmem>>, vector<16xf32>,
    tpu.vector_store %arg15[%swap3A_269], %add3A_268 {strides = array<i32>} : memref<512xf32, #tpu.memory_space<vmem>>, vector<16xf32>,
    %add3A_271 = arith.addf %parallel_loop3A_261#3, %gather3A : vector<16xf32>
    %swap3A_272 = arith.constant 432 : index
    %swap3A_273 = tpu.vector_load %arg15[%swap3A_272] {strides = array<i32>} : memref<512xf32, #tpu.memory_space<vmem>>, vector<16xf32>,
    tpu.vector_store %arg15[%swap3A_272], %add3A_271 {strides = array<i32>} : memref<512xf32, #tpu.memory_space<vmem>>, vector<16xf32>,
    %add3A_274 = arith.addf %parallel_loop3A_261#4, %gather3A : vector<16xf32>
    %swap3A_275 = arith.constant 448 : index
    %swap3A_276 = tpu.vector_load %arg15[%swap3A_275] {strides = array<i32>} : memref<512xf32, #tpu.memory_space<vmem>>, vector<16xf32>,
    tpu.vector_store %arg15[%swap3A_275], %add3A_274 {strides = array<i32>} : memref<512xf32, #tpu.memory_space<vmem>>, vector<16xf32>,
    %add3A_277 = arith.addf %parallel_loop3A_261#5, %gather3A : vector<16xf32>
    %swap3A_278 = arith.constant 464 : index
    %swap3A_279 = tpu.vector_load %arg15[%swap3A_278] {strides = array<i32>} : memref<512xf32, #tpu.memory_space<vmem>>, vector<16xf32>,
    tpu.vector_store %arg15[%swap3A_278], %add3A_277 {strides = array<i32>} : memref<512xf32, #tpu.memory_space<vmem>>, vector<16xf32>,
    %add3A_280 = arith.addf %parallel_loop3A_261#6, %gather3A : vector<16xf32>
    %swap3A_281 = arith.constant 480 : index
    %swap3A_282 = tpu.vector_load %arg15[%swap3A_281] {strides = array<i32>} : memref<512xf32, #tpu.memory_space<vmem>>, vector<16xf32>,
    tpu.vector_store %arg15[%swap3A_281], %add3A_280 {strides = array<i32>} : memref<512xf32, #tpu.memory_space<vmem>>, vector<16xf32>,
    %add3A_283 = arith.addf %parallel_loop3A_261#7, %gather3A : vector<16xf32>
    %swap3A_284 = arith.constant 496 : index
    %swap3A_285 = tpu.vector_load %arg15[%swap3A_284] {strides = array<i32>} : memref<512xf32, #tpu.memory_space<vmem>>, vector<16xf32>,
    tpu.vector_store %arg15[%swap3A_284], %add3A_283 {strides = array<i32>} : memref<512xf32, #tpu.memory_space<vmem>>, vector<16xf32>,
    %mul3A_286 = arith.constant 512 : i32
    %mul3A_287 = arith.muli %add3A, %mul3A_286 : i32
    "tpu.region"() ({
      %run_scoped3A = tpu.sem_alloc : memref<!tpu.dma_semaphore, #tpu.memory_space<semaphore_mem>>
      %dma_start3A_288 = tpu.memref_slice %arg7[%mul3A_287] : memref<16384xf32, #tpu.memory_space<hbm>> -> memref<512xf32, #tpu.memory_space<hbm>>
      %dma_start3A_289 = tpu.memref_slice %arg7[%mul3A_287] : memref<16384xf32, #tpu.memory_space<hbm>> -> memref<512xf32, #tpu.memory_space<hbm>>
      tpu.enqueue_dma source(%arg15 : memref<512xf32, #tpu.memory_space<vmem>>) target(%dma_start3A_289 : memref<512xf32, #tpu.memory_space<hbm>>) target_semaphore(%run_scoped3A : memref<!tpu.dma_semaphore, #tpu.memory_space<semaphore_mem>>)
      %dma_wait3A_290 = tpu.memref_slice %arg7[%mul3A_287] : memref<16384xf32, #tpu.memory_space<hbm>> -> memref<512xf32, #tpu.memory_space<hbm>>
      %dma_wait3A_291 = tpu.memref_slice %arg7[%mul3A_287] : memref<16384xf32, #tpu.memory_space<hbm>> -> memref<512xf32, #tpu.memory_space<hbm>>
      tpu.wait_dma2 semaphore(%run_scoped3A : memref<!tpu.dma_semaphore, #tpu.memory_space<semaphore_mem>>) src(%arg15 : memref<512xf32, #tpu.memory_space<vmem>>) dst(%dma_wait3A_291 : memref<512xf32, #tpu.memory_space<hbm>>)
      tpu.yield
    }) : () -> ()
    return
  }
}

</mosaic_0001>

<sc_bundles>
// kernel: kernel.3.cloned.1.call-start
scs
__scs_entry_jumppad:
0x0: {  	(pc) =	sbr.rel $0x88, $3  }
0x1: {  	(tag) =	ssettag $0x0;
	lr =	simm.s32 $0x1  }
0x2: {  	[smem:$0x3F9B] =	sst lr;
	_ =	strace $0xD0000000  }
0x3: {  	_ = 	snop  }
0x4: {  	_ = 	snop  }
0x5: {  	_ = 	snop  }
0x6: {  	_ = 	snop  }
0x7: {  	_ = 	snop  }
__scs_overlays_trampoline_lowered:
0x8: {  	[smem:$0x3FAA] =	sst s0  }
0x9: {  	[smem:$0x3FAB] =	sst s1  }
0xa: {  	[smem:$0x3FAC] =	sst s2  }
0xb: {  	[smem:$0x3FAD] =	sst s3  }
0xc: {  	[smem:$0x3FAE] =	sst s4  }
0xd: {  	[smem:$0x3FAF] =	sst s5  }
0xe: {  	[smem:$0x3FB0] =	sst s6  }
0xf: {  	[smem:$0x3FB1] =	sst s7  }
0x10: {  	[smem:$0x3FB2] =	sst s8  }
0x11: {  	[smem:$0x3FB3] =	sst s9;
	s0 =	simm.s32 @!p0 $0x0  }
0x12: {  	s1 =	sld [smem:$0x3F99];
	s0 =	simm.s32 @p0 $0x1  }
0x13: {  	[smem:$0x3FB4] =	sst s0;
	s0 =	simm.s32 @!p1 $0x0  }
0x14: {  	s2 =	sld [smem:$0x3F98];
	s0 =	simm.s32 @p1 $0x1  }
0x15: {  	[smem:$0x3FB5] =	sst s0;
	s0 =	simm.s32 @!p2 $0x0  }
0x16: {  	s3 =	sld [smem:$0x3FDB];
	s0 =	simm.s32 @p2 $0x1  }
0x17: {  	s4 =	simm.s32 $0x1BF5;
	[smem:$0x3FB7] =	sst s0  }
0x18: {  	s0 =	sld [smem:$0x3F9A];
	_ =	swait.ge [sflag:s4], $0x0  }
0x19: {  	s7 =	sld [smem:$0x3F9B]  }
0x1a: {  	s8 =	sadd.s32 $0xFFFFE003, lr  }
0x1b: {  	s9 =	sadd.s32 $0xFFFFFEF7, lr;
	s5 =	simm.s32 $0xFFFFFFFF;
	p2 =	slt.u32 s8, $0xFFFFF086  }
0x1c: {  	p1 =	slt.u32 s9, $0xF7A;
	s5 =	simm.s32 @!p2 $0x0  }
0x1d: {  	s5 =	simm.s32 @p1 $0x1;
	p0 =	seq.s32 s7, s2  }
0x1e: {  	s7 =	smul.u32 @!p0 $0xF7A, s2;
	p2 =	seq.s32 @!p0 s5, $0x0  }
0x1f: {  	s9 =	smul.u32 $0xF7A, s1;
	s8 =	simm.s32 @!p0 $0x1BF5;
	p2 =	por !p2, p0  }
0x20: {  	[sflag:s8] =	ssyncset.s32 @!p0 $0xFFFFF086;
	s6 =	sadd.s32 @!p0 s3, s7;
	s7 =	simm.s32 @!p0 $0x108  }
0x21: {  	s3 =	sadd.s32 s3, s9;
	s6 =	sadd.s32 @!p0 $0x88, s6;
	s7 =	simm.s32 @p2 $0x1082  }
0x22: {  	[simem:s7], [sflag:s8] =	dma.local @!p0 [hbm:s6], $0xF7A  }
0x23: {  	s9 =	sor.u32 $0xD0000000, s2;
	s6 =	simm.s32 $0x108;
	_ =	swait.ge @!p0 [sflag:s8], $0x0  }
0x24: {  	s3 =	sadd.s32 $0x88, s3;
	s6 =	simm.s32 @!p1 $0x1082;
	[sflag:s4] =	ssyncset.s32 $0xFFFFF086  }
0x25: {  	[simem:s6], [sflag:s4] =	dma.local [hbm:s3], $0xF7A  }
0x26: {  	[smem:$0x3F9B] =	sst s1;
	(tag) =	ssettag s2;
	_ =	strace s9  }
0x27: {  	s1 =	sld [smem:$0x3FAB]  }
0x28: {  	s2 =	sld [smem:$0x3FAC]  }
0x29: {  	s4 =	sld [smem:$0x3FAE]  }
0x2a: {  	p0 =	seq.s32 s5, $0x0;
	s5 =	sld [smem:$0x3FAF]  }
0x2b: {  	s6 =	sld [smem:$0x3FB0]  }
0x2c: {  	s7 =	sld [smem:$0x3FB1]  }
0x2d: {  	s3 =	simm.s32 $0x108;
	s8 =	sld [smem:$0x3FB2]  }
0x2e: {  	s3 =	simm.s32 @!p0 $0x1082;
	s9 =	sld [smem:$0x3FB3]  }
0x2f: {  	lr =	sadd.s32 s0, s3;
	s0 =	sld [smem:$0x3FAA]  }
0x30: {  	s3 =	sld [smem:$0x3FAD]  }
0x31: {  	[smem:$0x3FB6] =	sst s10  }
0x32: {  	s10 =	sld [smem:$0x3FB4];
	_ =	sdelay $0x3  }
0x33: {  	p0 =	seq.s32 s10, $0x1;
	s10 =	sld [smem:$0x3FB6];
	_ =	sdelay $0x3  }
0x34: {  	[smem:$0x3FB6] =	sst s10  }
0x35: {  	s10 =	sld [smem:$0x3FB5];
	_ =	sdelay $0x3  }
0x36: {  	p1 =	seq.s32 s10, $0x1;
	s10 =	sld [smem:$0x3FB6];
	_ =	sdelay $0x3  }
0x37: {  	[smem:$0x3FB6] =	sst s10  }
0x38: {  	s10 =	sld [smem:$0x3FB7]  }
0x39: {  	_ = 	snop;
	(pc) =	sbr.ind lr, $3  }
0x3a: {  	_ = 	snop  }
0x3b: {  	_ = 	snop  }
0x3c: {  	p2 =	seq.s32 s10, $0x1;
	s10 =	sld [smem:$0x3FB6]  }
0x3d: {  	_ =	shalt  }
0x3e: {  	_ =	shalt  }
0x3f: {  	_ =	shalt  }
0x40: {  	_ =	shalt  }
0x41: {  	_ =	shalt  }
0x42: {  	_ =	shalt  }
0x43: {  	_ =	shalt  }
0x44: {  	_ =	shalt  }
0x45: {  	_ =	shalt  }
0x46: {  	_ =	shalt  }
0x47: {  	_ =	shalt  }
0x48: {  	_ =	shalt  }
0x49: {  	_ =	shalt  }
0x4a: {  	_ =	shalt  }
0x4b: {  	_ =	shalt  }
0x4c: {  	_ =	shalt  }
0x4d: {  	_ =	shalt  }
0x4e: {  	_ =	shalt  }
0x4f: {  	_ =	shalt  }
0x50: {  	_ =	shalt  }
0x51: {  	_ =	shalt  }
0x52: {  	_ =	shalt  }
0x53: {  	_ =	shalt  }
0x54: {  	_ =	shalt  }
0x55: {  	_ =	shalt  }
0x56: {  	_ =	shalt  }
0x57: {  	_ =	shalt  }
0x58: {  	_ =	shalt  }
0x59: {  	_ =	shalt  }
0x5a: {  	_ =	shalt  }
0x5b: {  	_ =	shalt  }
0x5c: {  	_ =	shalt  }
0x5d: {  	_ =	shalt  }
0x5e: {  	_ =	shalt  }
0x5f: {  	_ =	shalt  }
0x60: {  	_ =	shalt  }
0x61: {  	_ =	shalt  }
0x62: {  	_ =	shalt  }
0x63: {  	_ =	shalt  }
0x64: {  	_ =	shalt  }
0x65: {  	_ =	shalt  }
0x66: {  	_ =	shalt  }
0x67: {  	_ =	shalt  }
0x68: {  	_ =	shalt  }
0x69: {  	_ =	shalt  }
0x6a: {  	_ =	shalt  }
0x6b: {  	_ =	shalt  }
0x6c: {  	_ =	shalt  }
0x6d: {  	_ =	shalt  }
0x6e: {  	_ =	shalt  }
0x6f: {  	_ =	shalt  }
0x70: {  	_ =	shalt  }
0x71: {  	_ =	shalt  }
0x72: {  	_ =	shalt  }
0x73: {  	_ =	shalt  }
0x74: {  	_ =	shalt  }
0x75: {  	_ =	shalt  }
0x76: {  	_ =	shalt  }
0x77: {  	_ =	shalt  }
0x78: {  	_ =	shalt  }
0x79: {  	_ =	shalt  }
0x7a: {  	_ =	shalt  }
0x7b: {  	_ =	shalt  }
0x7c: {  	_ =	shalt  }
0x7d: {  	_ =	shalt  }
0x7e: {  	_ =	shalt  }
0x7f: {  	_ =	shalt  }
0x80: {  	_ =	shalt  }
0x81: {  	_ =	shalt  }
0x82: {  	_ =	shalt  }
0x83: {  	_ =	shalt  }
0x84: {  	_ =	shalt  }
0x85: {  	_ =	shalt  }
0x86: {  	_ =	shalt  }
0x87: {  	_ =	shalt  }
.Lfunc_end0:
.L_simem_size_0:
called_computation_lowered:
.L_overlay_start_0:
0x88: {  	s2 =	sld [smem:$0x3FD9]  }
0x89: {  	s3 =	sld [smem:$0x3FFE];
	_ =	sdelay $0x1  }
0x8a: {  	s1 =	srdreg.scid  }
0x8b: {  	s0 =	sand.u32 $0x1, s1  }
0x8c: {  	s17 =	sshll.u32 s0, $0xA;
	s2 =	sadd.s32 s3, s2  }
0x8d: {  	s2 =	sadd.s32 s2, s17  }
0x8e: {  	[smem:$0x3FC2] =	sst s2  }
0x8f: {  	_ = 	snop  }
0x90: {  	s2 =	sld [smem:$0x3FC9]  }
0x91: {  	s18 =	sld [smem:$0x3FC8]  }
0x92: {  	s4 =	sld [smem:$0x3FC7]  }
0x93: {  	s5 =	sld [smem:$0x3FC6]  }
0x94: {  	s6 =	sld [smem:$0x3FD0];
	(tm) =	ssettm $0x1  }
0x95: {  	s7 =	sld [smem:$0x3FFB];
	_ =	sdelay $0x3  }
0x96: {  	_ =	strace s7  }
0x97: {  	s7 =	sld [smem:$0x3FFC];
	_ =	sdelay $0x3  }
0x98: {  	_ =	strace s7  }
0x99: {  	s7 =	sld [smem:$0x3FFD];
	_ =	sdelay $0x3  }
0x9a: {  	_ =	strace s7  }
0x9b: {  	_ =	strace $0x8FFFFFFF  }
0x9c: {  	s19 =	sld [smem:$0x3FDB];
	_ =	sdelay $0x1  }
0x9d: {  	s8 =	simm.s32 $_scs_section_size  }
0x9e: {  	s9 =	simm.s32 $_size__tile_overlayer_lowered;
	s10 =	simm.s32 $_tile_overlayer_lowered  }
0x9f: {  	s22 =	simm.s32 $0x1BFF;
	s21 =	sshll.u32 s10, $0x1;
	s7 =	sadd.s32 s8, s19  }
0xa0: {  	s11 =	simm.s32 $0x0;
	s20 =	sshll.u32 s9, $0x1;
	s9 =	sadd.s32 s21, s7  }
0xa1: {  	[timem:s11], [sflag:s22] =	dma.local [hbm:s9], s20  }
0xa2: {  	_ =	swait.ge [sflag:s22], s20  }
0xa3: {  	s8 =	ssub.s32 $0x0, s20;
	[sflag:s22] =	ssyncset.done $0x0  }
0xa4: {  	[sflag:s22] =	ssyncadd.s32 s8;
	_ =	sdelay $0x1  }
0xa5: {  	s23 =	simm.s32 $0x1B8B  }
0xa6: {  	_ =	swait.ge [sflag:s23], $0x1  }
0xa7: {  	[sflag:s23] =	ssyncset.done $0x0  }
0xa8: {  	s25 =	simm.s32 $0x1B8E;
	s24 =	sld [smem:$0x3FFE];
	[sflag:s23] =	ssyncadd.s32 $0xFFFFFFFF  }
0xa9: {  	s26 =	simm.s32 $execute0_lowered;
	[smem:$0x3FD2] =	sst s25  }
0xaa: {  	s9 =	sshll.u32 s26, $0x1;
	_ =	strace $0x80000046;
	[dreg:$0x1] =	wrdreg $0xFFFFFFFF  }
0xab: {  	s28 =	simm.s32 $_size_execute0_lowered;
	s7 =	sadd.s32 s7, s9;
	[dreg:$0x0] =	wrdreg $0x0  }
0xac: {  	s9 =	sshll.u32 s28, $0x1;
	[dreg:$0x2] =	wrdreg s7  }
0xad: {  	[dreg:$0x3] =	wrdreg s9  }
0xae: {  	[dreg:$0x4] =	wrdreg $0xC0  }
0xaf: {  	_ =	task [dreg:s11], $0x5FFFF  }
0xb0: {  	[dreg:$0x1] =	wrdreg $0xFFFFFFFF  }
0xb1: {  	[dreg:$0x0] =	wrdreg $0x60  }
0xb2: {  	[dreg:$0x2] =	wrdreg s2  }
0xb3: {  	[dreg:$0x3] =	wrdreg s18  }
0xb4: {  	[dreg:$0x4] =	wrdreg s4  }
0xb5: {  	[dreg:$0x5] =	wrdreg s5  }
0xb6: {  	[dreg:$0x6] =	wrdreg s24  }
0xb7: {  	[dreg:$0x7] =	wrdreg s6  }
0xb8: {  	[dreg:$0x8] =	wrdreg $0x9  }
0xb9: {  	_ =	task.clear_ibuf [dreg:s11], $0x9FFFF;
	_ =	strace $0x90000046  }
0xba: {  	s29 =	simm.s32 $0x9;
	_ =	strace $0x80000048  }
0xbb: {  	_ =	swait.ge [sflag:s29], $0x1  }
0xbc: {  	[sflag:s29] =	ssyncadd.s32 $0xFFFFFFFF  }
0xbd: {  	_ =	strace $0x90000048  }
0xbe: {  	_ =	sfence  }
0xbf: {  	s30 =	sld [smem:$0x0];
	_ =	sdelay $0x2  }
0xc0: {  	s31 =	sshll.u32 s1, $0xD;
	s1 =	sshrl.u32 s1, $0x2  }
0xc1: {  	s3 =	sand.u32 $0x4000, s31;
	s1 =	sadd.s32 s1, s30  }
0xc2: {  	s0 =	sor.u32 s3, s0;
	s1 =	sshll.u32 s1, $0x11  }
0xc3: {  	s0 =	sor.u32 s1, s0  }
0xc4: {  	s0 =	sadd.s32 $0x8F2B, s0  }
0xc5: {  	[sflag:s0] =	ssyncadd.remote.s32 $0x1  }
0xc6: {  	_ =	sfence.sel $0xFFFF  }
0xc7: {  	[dreg:$0x0] =	wrdreg $0xFFFFFFFF;
	(pc) =	sbr.abs _section_cstart, $3  }
0xc8: {  	[dreg:$0x1] =	wrdreg $0xFFFFFFFF  }
0xc9: {  	_ =	task.clear_ibuf [dreg:s11], $0x2FFFF;
	_ =	strace $0x9FFFFFFF  }
0xca: {  	(tm) =	ssettm $0x7FFFFFFF  }
0xcb: {  	_ =	shalt  }
tec
execute0_lowered:
.L_overlay_start_1:
0x0: {  	(tag) =	ssettag $0x1  }
0x1: {  	s6 =	rddreg [dreg:$0x0]  }
0x2: {  	s7 =	rddreg [dreg:$0x1]  }
0x3: {  	s1 =	rddreg [dreg:$0x2]  }
0x4: {  	s2 =	rddreg [dreg:$0x3]  }
0x5: {  	s5 =	rddreg [dreg:$0x4]  }
0x6: {  	s8 =	rddreg [dreg:$0x5]  }
0x7: {  	s0 =	rddreg [dreg:$0x6]  }
0x8: {  	s4 =	simm.s32 $0x0;
	s9 =	srdreg.scid;
	s3 =	stileid.u32  }
0x9: {  	s13 =	simm.s32 $0x400;
	v0 =	vlaneseq.u32;
	s14 =	simm.s32 $0x8400;
	s15 =	simm.s32 $0x10400  }
0xa: {  	s16 =	simm.s32 $0x1;
	s17 =	simm.s32 $0x3;
	s18 =	simm.s32 $0x4400;
	v2 =	vmul.u32 $0x80, v0  }
0xb: {  	s19 =	simm.s32 $0x280;
	s20 =	simm.s32 $0xC400;
	[smem:$0x7FF] =	sst s4  }
0xc: {  	s21 =	simm.s32 $0x2;
	s22 =	simm.s32 $0x4;
	_ =	strace $0x80000047;
	v5 =	vor.u32 $0x1800, v2;
	[tilespmem:$0x1FF80] =	vst v2  }
0xd: {  	s23 =	simm.s32 $0x100;
	s24 =	simm.s32 $0x300;
	s25 =	simm.s32 $0x180;
	v6 =	vor.u32 $0x2000, v2;
	[tilespmem:$0x1FF90] =	vst v5  }
0xe: {  	s26 =	simm.s32 $0x380;
	s28 =	simm.s32 $0x10500;
	s9 =	sand.u32 $0x1, s9;
	v7 =	vor.u32 $0x2800, v2;
	[tilespmem:$0x1FFA0] =	vst v6  }
0xf: {  	s29 =	simm.s32 $0x0;
	s11 =	sshll.u32 s3, $0x7;
	s10 =	ssub.s32 $0x2, s9;
	v8 =	vor.u32 $0x3000, v2;
	[tilespmem:$0x1FFB0] =	vst v7  }
0x10: {  	s5 =	sadd.s32 $0x400, s5;
	s9 =	sshll.u32 s9, $0x6;
	s12 =	sshrl.u32 s10, $0x1;
	v9 =	vor.u32 $0x3800, v2;
	[tilespmem:$0x1FFC0] =	vst v8  }
0x11: {  	s9 =	sor.u32 s9, s11;
	s11 =	simm.s32 $0x200;
	v3 =	vor.u32 $0x800, v2;
	s10 =	ssub.s32 s10, s12;
	[tilespmem:$0x1FFD0] =	vst v9  }
0x12: {  	v4 =	vor.u32 $0x1000, v2;
	s6 =	sadd.s32 s6, s9;
	s7 =	sadd.s32 s7, s9;
	s8 =	sadd.s32 s8, s9;
	[tilespmem:$0x1FFE0] =	vst v3  }
0x13: {  	s12 =	simm.s32 $0x80;
	[tilespmem:$0x1FFF0] =	vst v4;
	s9 =	smax.u32 s10, $0x1;
	s10 =	simm.s32 $0x5  }
.LBB2_1:
0x14: {  	[tilespmem:s4], [sflag:$0x5] =	stream.linear.gather [hbm4b:s6+s4], $0x200, $0x38;
	[tilespmem:$0x10700] =	vst v63  }
0x15: {  	_ =	swait.ge [sflag:s10], $0x200  }
0x16: {  	[sflag:s10] =	ssyncset.done $0x0  }
0x17: {  	[sflag:s10] =	ssyncadd.s32 $0xFFFFFE00  }
0x18: {  	[tilespmem:s11], [sflag:$0x5] =	stream.linear.gather [hbm4b:s7+s4], $0x200, $0x38;
	[tilespmem:$0x10700] =	vst v63  }
0x19: {  	_ =	swait.ge [sflag:s10], $0x200  }
0x1a: {  	[sflag:s10] =	ssyncset.done $0x0  }
0x1b: {  	[sflag:s10] =	ssyncadd.s32 $0xFFFFFE00  }
0x1c: {  	[tilespmem:s13], [sflag:$0x1] =	stream.indirect.gather [hbm4b:s1+s12], $0x80, s4, s12, $0xb8;
	[tilespmem:$0x10700] =	vst v63  }
0x1d: {  	_ = 	snop  }
0x1e: {  	[tilespmem:s14], [sflag:$0x3] =	stream.indirect.gather [hbm4b:s2+s12], $0x80, s11, s12, $0xb8;
	[tilespmem:$0x10700] =	vst v63  }
0x1f: {  	v1 =	vimm.s32 $0x80  }
0x20: {  	[tilespmem:s15], [sflag:$0x5] =	stream.linear.gather [hbm4b:s5+s4], $0x100, $0x38;
	[tilespmem:$0x10700] =	vst v63  }
0x21: {  	_ =	swait.ge [sflag:s10], $0x100  }
0x22: {  	[sflag:s10] =	ssyncset.done $0x0  }
0x23: {  	[sflag:s10] =	ssyncadd.s32 $0xFFFFFF00  }
0x24: {  	v1 =	vld.idx.msk [tilespmem:v1+s15+$0x0], $0xffff;
	_ =	sdelay $0x4  }
0x25: {  	[tilespmem:$0x1FED0] =	vst v1  }
0x26: {  	_ =	swait.ge [sflag:s16], $0x4000  }
0x27: {  	[sflag:s16] =	ssyncset.done $0x0  }
0x28: {  	v11 =	vadd.s32 s4, v0;
	[sflag:s16] =	ssyncadd.s32 $0xFFFFC000  }
0x29: {  	v15 =	vand.u32 $0x7F, v11;
	_ =	swait.ge [sflag:s17], $0x4000  }
0x2a: {  	v12 =	vor.u32 v2, v15;
	[sflag:s17] =	ssyncset.done $0x0  }
0x2b: {  	[sflag:s17] =	ssyncadd.s32 $0xFFFFC000  }
0x2c: {  	v13 =	vor.u32 v3, v15;
	[tilespmem:s18], [sflag:$0x2] =	stream.indirect.gather [hbm4b:s1+s12], $0x80, s12, s12, $0xb8;
	[tilespmem:$0x10700] =	vst v63  }
0x2d: {  	v18 =	vor.u32 v6, v15  }
0x2e: {  	[tilespmem:s20], [sflag:$0x4] =	stream.indirect.gather [hbm4b:s2+s12], $0x80, s19, s12, $0xb8;
	[tilespmem:$0x10700] =	vst v63  }
0x2f: {  	v14 =	vor.u32 v4, v15;
	v10 =	vld.idx.msk [tilespmem:v12+s13+$0x0], $0xffff  }
0x30: {  	v17 =	vld.idx.msk [tilespmem:v12+s14+$0x0], $0xffff  }
0x31: {  	v16 =	vor.u32 v5, v15;
	v11 =	vld.idx.msk [tilespmem:v13+s13+$0x0], $0xffff  }
0x32: {  	v1 =	vld.idx.msk [tilespmem:v18+s13+$0x0], $0xffff  }
0x33: {  	v20 =	vor.u32 v7, v15;
	v52 =	vld.idx.msk [tilespmem:v13+s14+$0x0], $0xffff  }
0x34: {  	v51 =	vld.idx.msk [tilespmem:v14+s13+$0x0], $0xffff  }
0x35: {  	v14 =	vld.idx.msk [tilespmem:v14+s14+$0x0], $0xffff  }
0x36: {  	v57 =	vld.idx.msk [tilespmem:v16+s13+$0x0], $0xffff  }
0x37: {  	v16 =	vld.idx.msk [tilespmem:v16+s14+$0x0], $0xffff;
	[tilespmem:$0x1FEE0] =	vst v1  }
0x38: {  	v1 =	vld.idx.msk [tilespmem:v20+s13+$0x0], $0xffff;
	_ =	sdelay $0x4  }
0x39: {  	v18 =	vld.idx.msk [tilespmem:v18+s14+$0x0], $0xffff;
	[tilespmem:$0x1FEF0] =	vst v1  }
0x3a: {  	v1 =	vld.idx.msk [tilespmem:v20+s14+$0x0], $0xffff  }
0x3b: {  	v22 =	vor.u32 v8, v15;
	_ =	sdelay $0x3  }
0x3c: {  	[tilespmem:$0x1FF00] =	vst v1  }
0x3d: {  	v1 =	vld.idx.msk [tilespmem:v22+s13+$0x0], $0xffff;
	_ =	sdelay $0x4  }
0x3e: {  	[tilespmem:$0x1FF10] =	vst v1  }
0x3f: {  	v1 =	vld.idx.msk [tilespmem:v22+s14+$0x0], $0xffff  }
0x40: {  	v24 =	vor.u32 v9, v15;
	_ =	sdelay $0x3  }
0x41: {  	[tilespmem:$0x1FF20] =	vst v1  }
0x42: {  	v1 =	vld.idx.msk [tilespmem:v24+s13+$0x0], $0xffff;
	_ =	sdelay $0x3  }
0x43: {  	s30 =	simm.s32 $0x3  }
0x44: {  	v25 =	vadd.s32 s30, v0;
	[tilespmem:$0x1FF30] =	vst v1  }
0x45: {  	v29 =	vand.u32 $0x7F, v25;
	v1 =	vld.idx.msk [tilespmem:v24+s14+$0x0], $0xffff  }
0x46: {  	v25 =	vor.u32 v2, v29;
	_ =	sdelay $0x3  }
0x47: {  	[tilespmem:$0x1FF40] =	vst v1  }
0x48: {  	v1 =	vld.idx.msk [tilespmem:v25+s13+$0x0], $0xffff  }
0x49: {  	v22 =	vor.u32 v3, v29;
	_ =	sdelay $0x3  }
0x4a: {  	[tilespmem:$0x1FF50] =	vst v1  }
0x4b: {  	v1 =	vld.idx.msk [tilespmem:v22+s13+$0x0], $0xffff;
	_ =	sdelay $0x1  }
0x4c: {  	v31 =	vor.u32 v4, v29;
	_ =	sdelay $0x1  }
0x4d: {  	v37 =	vor.u32 v7, v29  }
0x4e: {  	v42 =	vld.idx.msk [tilespmem:v25+s14+$0x0], $0xffff;
	[tilespmem:$0x1FF60] =	vst v1  }
0x4f: {  	v43 =	vld.idx.msk [tilespmem:v22+s14+$0x0], $0xffff;
	v22 =	vor.u32 v6, v29  }
0x50: {  	s30 =	simm.s32 $0x2;
	v44 =	vld.idx.msk [tilespmem:v31+s13+$0x0], $0xffff  }
0x51: {  	v39 =	vadd.s32 s30, v0;
	v38 =	vor.u32 v8, v29;
	v27 =	vld.idx.msk [tilespmem:v31+s14+$0x0], $0xffff  }
0x52: {  	v56 =	vand.u32 $0x7F, v39;
	v12 =	vld.idx.msk [tilespmem:v37+s13+$0x0], $0xffff  }
0x53: {  	v39 =	vor.u32 v2, v56;
	v26 =	vld.idx.msk [tilespmem:v37+s14+$0x0], $0xffff  }
0x54: {  	v45 =	vld.idx.msk [tilespmem:v22+s13+$0x0], $0xffff  }
0x55: {  	v46 =	vld.idx.msk [tilespmem:v22+s14+$0x0], $0xffff;
	v22 =	vor.u32 v9, v29  }
0x56: {  	v21 =	vld.idx.msk [tilespmem:v38+s13+$0x0], $0xffff  }
0x57: {  	v47 =	vor.u32 v3, v56;
	v50 =	vld.idx.msk [tilespmem:v38+s14+$0x0], $0xffff  }
0x58: {  	v53 =	vld.idx.msk [tilespmem:v39+s13+$0x0], $0xffff  }
0x59: {  	v49 =	vor.u32 v4, v56;
	v34 =	vld.idx.msk [tilespmem:v39+s14+$0x0], $0xffff  }
0x5a: {  	v35 =	vld.idx.msk [tilespmem:v22+s13+$0x0], $0xffff  }
0x5b: {  	v20 =	vld.idx.msk [tilespmem:v22+s14+$0x0], $0xffff;
	v22 =	vor.u32 v5, v56  }
0x5c: {  	v31 =	vld.idx.msk [tilespmem:v47+s13+$0x0], $0xffff  }
0x5d: {  	v55 =	vor.u32 v6, v56;
	v1 =	vld.idx.msk [tilespmem:v47+s14+$0x0], $0xffff  }
0x5e: {  	v58 =	vld.idx.msk [tilespmem:v49+s13+$0x0], $0xffff  }
0x5f: {  	v32 =	vor.u32 v7, v56;
	v59 =	vld.idx.msk [tilespmem:v49+s14+$0x0], $0xffff  }
0x60: {  	s30 =	simm.s32 $0x1;
	v54 =	vor.u32 v9, v56;
	v60 =	vld.idx.msk [tilespmem:v22+s13+$0x0], $0xffff  }
0x61: {  	v61 =	vld.idx.msk [tilespmem:v22+s14+$0x0], $0xffff;
	v22 =	vadd.s32 s30, v0  }
0x62: {  	v62 =	vld.idx.msk [tilespmem:v55+s13+$0x0], $0xffff;
	v22 =	vand.u32 $0x7F, v22  }
0x63: {  	v63 =	vld.idx.msk [tilespmem:v55+s14+$0x0], $0xffff;
	v40 =	vor.u32 v2, v22  }
0x64: {  	v49 =	vld.idx.msk [tilespmem:v32+s13+$0x0], $0xffff  }
0x65: {  	v47 =	vor.u32 v8, v56;
	v23 =	vld.idx.msk [tilespmem:v54+s14+$0x0], $0xffff  }
0x66: {  	v55 =	vor.u32 v3, v22;
	v3 =	vld [tilespmem:$0x1FEE0]  }
0x67: {  	v39 =	vld [tilespmem:$0x1FF00]  }
0x68: {  	v41 =	vld.idx.msk [tilespmem:v40+s13+$0x0], $0xffff  }
0x69: {  	v36 =	vld.idx.msk [tilespmem:v40+s14+$0x0], $0xffff;
	v40 =	vor.u32 v5, v22  }
0x6a: {  	v48 =	vld.idx.msk [tilespmem:v47+s13+$0x0], $0xffff  }
0x6b: {  	v37 =	vmul.f32 v18, v3;
	v3 =	vld [tilespmem:$0x1FEF0]  }
0x6c: {  	v25 =	vld.idx.msk [tilespmem:v47+s14+$0x0], $0xffff  }
0x6d: {  	v47 =	vld.idx.msk [tilespmem:v54+s13+$0x0], $0xffff  }
0x6e: {  	v0 =	vld.idx.msk [tilespmem:v40+s13+$0x0], $0xffff  }
0x6f: {  	v54 =	vmul.f32 v17, v10;
	v17 =	vld.idx.msk [tilespmem:v40+s14+$0x0], $0xffff  }
0x70: {  	v38 =	vmul.f32 v39, v3;
	v3 =	vld [tilespmem:$0x1FF10]  }
0x71: {  	v40 =	vld [tilespmem:$0x1FF20]  }
0x72: {  	v33 =	vor.u32 v5, v29;
	v28 =	vld.idx.msk [tilespmem:v32+s14+$0x0], $0xffff  }
0x73: {  	v2 =	vor.u32 v6, v22;
	v32 =	vld.idx.msk [tilespmem:v55+s13+$0x0], $0xffff  }
0x74: {  	v30 =	vld.idx.msk [tilespmem:v55+s14+$0x0], $0xffff  }
0x75: {  	v55 =	vmul.f32 v52, v11;
	v52 =	vmul.f32 v16, v57;
	v57 =	vld [tilespmem:$0x1FF40]  }
0x76: {  	v39 =	vmul.f32 v40, v3;
	v3 =	vld [tilespmem:$0x1FF30]  }
0x77: {  	v13 =	vld.idx.msk [tilespmem:v33+s13+$0x0], $0xffff  }
0x78: {  	v16 =	vld.idx.msk [tilespmem:v2+s13+$0x0], $0xffff  }
0x79: {  	v51 =	vmul.f32 v14, v51;
	v14 =	vld.idx.msk [tilespmem:v2+s14+$0x0], $0xffff  }
0x7a: {  	v4 =	vor.u32 v4, v22;
	v2 =	vld [tilespmem:$0x1FF60]  }
0x7b: {  	v40 =	vmul.f32 v57, v3;
	v3 =	vld [tilespmem:$0x1FF50]  }
0x7c: {  	v33 =	vld.idx.msk [tilespmem:v33+s14+$0x0], $0xffff;
	v11 =	vor.u32 v7, v22;
	_ =	sdelay $0x1  }
0x7d: {  	v10 =	vor.u32 v8, v22  }
0x7e: {  	v24 =	vld.idx.msk [tilespmem:v4+s13+$0x0], $0xffff;
	v43 =	vmul.f32 v43, v2  }
0x7f: {  	v19 =	vld.idx.msk [tilespmem:v4+s14+$0x0], $0xffff;
	v2 =	vor.u32 v9, v22;
	v42 =	vmul.f32 v42, v3;
	v3 =	vmul.f32 v50, v21  }
0x80: {  	v33 =	vmul.f32 v33, v13;
	v13 =	vld.idx.msk [tilespmem:v11+s13+$0x0], $0xffff  }
0x81: {  	v44 =	vmul.f32 v27, v44;
	v57 =	vmul.f32 v26, v12;
	v12 =	vld.idx.msk [tilespmem:v11+s14+$0x0], $0xffff;
	[tilespmem:$0x1FF70] =	vst v3  }
0x82: {  	v28 =	vmul.f32 v28, v49;
	v25 =	vmul.f32 v25, v48;
	v7 =	vld.idx.msk [tilespmem:v10+s13+$0x0], $0xffff  }
0x83: {  	v18 =	vmul.f32 v46, v45;
	v45 =	vmul.f32 v34, v53;
	v10 =	vld.idx.msk [tilespmem:v10+s14+$0x0], $0xffff  }
0x84: {  	v46 =	vmul.f32 v1, v31;
	v34 =	vmul.f32 v61, v60;
	v1 =	vld.idx.msk [tilespmem:v2+s13+$0x0], $0xffff  }
0x85: {  	v31 =	vmul.f32 v63, v62;
	v61 =	vimm.f32 $0.0e+00;
	v49 =	vmul.f32 v36, v41;
	v2 =	vld.idx.msk [tilespmem:v2+s14+$0x0], $0xffff  }
0x86: {  	v60 =	vimm.f32 $0.0e+00;
	v48 =	vmul.f32 v19, v24;
	v41 =	vmul.f32 v14, v16;
	v53 =	vld.idx.msk [tilespmem:v15+s15+$0x0], $0xffff  }
0x87: {  	v14 =	vimm.f32 $0.0e+00;
	v50 =	vmul.f32 v30, v32;
	v36 =	vmul.f32 v12, v13  }
0x88: {  	v13 =	vimm.f32 $0.0e+00;
	v3 =	vmul.f32 v20, v35;
	v35 =	vmul.f32 v59, v58  }
0x89: {  	v21 =	vimm.f32 $0.0e+00;
	v59 =	vmul.f32 v23, v47;
	v47 =	vmul.f32 v17, v0  }
0x8a: {  	v17 =	vimm.f32 $0.0e+00;
	v32 =	vmul.f32 v10, v7;
	v30 =	vmul.f32 v2, v1  }
0x8b: {  	v20 =	vimm.f32 $0.0e+00;
	v24 =	vld.idx.msk [tilespmem:v29+s15+$0x0], $0xffff;
	v54 =	vmul.f32 v54, v53;
	v55 =	vmul.f32 v55, v53  }
0x8c: {  	s30 =	simm.s32 $0x4;
	v23 =	vimm.f32 $0.0e+00;
	v29 =	vld.idx.msk [tilespmem:v56+s15+$0x0], $0xffff;
	v0 =	vmovc v3;
	v51 =	vmul.f32 v51, v53;
	v52 =	vmul.f32 v52, v53  }
.LBB2_2:
0x8d: {  	v22 =	vld.idx.msk [tilespmem:v22+s15+$0x0], $0xffff;
	_ =	sdelay $0x2  }
0x8e: {  	v10 =	vmul.f32 v37, v53  }
0x8f: {  	v6 =	vlaneseq.u32;
	v37 =	vmul.f32 v38, v53;
	v38 =	vmul.f32 v40, v53  }
0x90: {  	v40 =	vmul.f32 v42, v24;
	v15 =	vadd.f32 v54, v13;
	v8 =	vmul.f32 v49, v22  }
0x91: {  	v2 =	vadd.s32 s30, v6;
	v42 =	vmul.f32 v43, v24;
	v26 =	vmul.f32 v45, v29  }
0x92: {  	v16 =	vadd.f32 v55, v14;
	v11 =	vmul.f32 v50, v22;
	v15 =	vadd.f32 v8, v15  }
0x93: {  	v56 =	vmul.f32 v18, v24;
	v17 =	vadd.f32 v51, v17;
	v48 =	vmul.f32 v48, v22  }
0x94: {  	v5 =	vld [tilespmem:$0x1FF80];
	v27 =	vmul.f32 v46, v29;
	v16 =	vadd.f32 v11, v16;
	v15 =	vadd.f32 v26, v15  }
0x95: {  	v18 =	vadd.f32 v52, v61;
	v47 =	vmul.f32 v47, v22;
	v17 =	vadd.f32 v48, v17  }
0x96: {  	v35 =	vmul.f32 v35, v29;
	v16 =	vadd.f32 v27, v16;
	v1 =	vadd.f32 v40, v15  }
0x97: {  	v19 =	vand.u32 $0x7F, v2;
	v44 =	vmul.f32 v44, v24;
	v18 =	vadd.f32 v47, v18  }
0x98: {  	v34 =	vmul.f32 v34, v29;
	v17 =	vadd.f32 v35, v17;
	[tilespmem:$0x1FE80] =	vst v1;
	v1 =	vadd.f32 v42, v16  }
0x99: {  	v2 =	vmul.f32 v39, v53;
	v39 =	vor.u32 v5, v19  }
0x9a: {  	v33 =	vmul.f32 v33, v24;
	v18 =	vadd.f32 v34, v18;
	[tilespmem:$0x1FE70] =	vst v1;
	v1 =	vadd.f32 v44, v17;
	_ =	sdelay $0x1  }
0x9b: {  	[tilespmem:$0x1FE90] =	vst v1;
	v1 =	vadd.f32 v33, v18  }
0x9c: {  	v7 =	vld [tilespmem:$0x1FFE0]  }
0x9d: {  	[tilespmem:$0x1FE60] =	vst v1;
	v1 =	vld.idx.msk [tilespmem:v39+s13+$0x0], $0xffff;
	_ =	sdelay $0x4  }
0x9e: {  	v43 =	vor.u32 v7, v19;
	[tilespmem:$0x1FE10] =	vst v1;
	v1 =	vld.idx.msk [tilespmem:v39+s14+$0x0], $0xffff;
	_ =	sdelay $0x4  }
0x9f: {  	[tilespmem:$0x1FE20] =	vst v1;
	v1 =	vld.idx.msk [tilespmem:v43+s13+$0x0], $0xffff  }
0xa0: {  	v9 =	vld [tilespmem:$0x1FFF0];
	v57 =	vmul.f32 v57, v24  }
0xa1: {  	v3 =	vld [tilespmem:$0x1FF90];
	v31 =	vmul.f32 v31, v29;
	v10 =	vadd.f32 v10, v20;
	v52 =	vmul.f32 v41, v22  }
0xa2: {  	v28 =	vmul.f32 v28, v29;
	v2 =	vadd.f32 v2, v21;
	v14 =	vmul.f32 v32, v22  }
0xa3: {  	v4 =	vld [tilespmem:$0x1FFA0];
	v54 =	vmul.f32 v36, v22;
	v11 =	vadd.f32 v37, v60;
	v10 =	vadd.f32 v52, v10  }
0xa4: {  	v13 =	vmul.f32 v30, v22;
	v22 =	vmul.f32 v25, v29;
	v2 =	vadd.f32 v14, v2;
	[tilespmem:$0x1FE30] =	vst v1;
	v1 =	vld [tilespmem:$0x1FF70]  }
0xa5: {  	v62 =	vor.u32 v9, v19;
	v11 =	vadd.f32 v54, v11;
	v10 =	vadd.f32 v31, v10  }
0xa6: {  	v12 =	vadd.f32 v38, v23;
	v58 =	vor.u32 v3, v19;
	v2 =	vadd.f32 v22, v2;
	v18 =	vld [tilespmem:$0x1FFB0]  }
0xa7: {  	v22 =	vmul.f32 v0, v24;
	v14 =	vadd.f32 v28, v11;
	v0 =	vadd.f32 v56, v10  }
0xa8: {  	v63 =	vor.u32 v4, v19;
	v12 =	vadd.f32 v13, v12;
	v13 =	vmul.f32 v59, v29  }
0xa9: {  	v23 =	vld.idx.msk [tilespmem:v43+s14+$0x0], $0xffff;
	[tilespmem:$0x1FEB0] =	vst v0;
	v0 =	vadd.f32 v57, v14;
	v29 =	vmul.f32 v1, v24  }
0xaa: {  	v13 =	vadd.f32 v13, v12;
	v27 =	vld.idx.msk [tilespmem:v62+s13+$0x0], $0xffff  }
0xab: {  	v20 =	vld.idx.msk [tilespmem:v62+s14+$0x0], $0xffff;
	[tilespmem:$0x1FE50] =	vst v0;
	v55 =	vor.u32 v18, v19;
	v0 =	vadd.f32 v29, v2  }
0xac: {  	s31 =	sadd.s32 $0x3, s30;
	v21 =	vld.idx.msk [tilespmem:v58+s14+$0x0], $0xffff  }
0xad: {  	v1 =	vld.idx.msk [tilespmem:v63+s13+$0x0], $0xffff;
	[tilespmem:$0x1FEC0] =	vst v0;
	v0 =	vadd.f32 v22, v13;
	v22 =	vadd.s32 s31, v6  }
0xae: {  	v28 =	vld.idx.msk [tilespmem:v58+s13+$0x0], $0xffff;
	v24 =	vand.u32 $0x7F, v22  }
0xaf: {  	v57 =	vld.idx.msk [tilespmem:v63+s14+$0x0], $0xffff;
	v22 =	vor.u32 v5, v24  }
0xb0: {  	v30 =	vld.idx.msk [tilespmem:v55+s13+$0x0], $0xffff  }
0xb1: {  	v33 =	vld.idx.msk [tilespmem:v55+s14+$0x0], $0xffff;
	v29 =	vor.u32 v7, v24  }
0xb2: {  	[tilespmem:$0x1FE40] =	vst v1;
	v1 =	vld [tilespmem:$0x1FFD0]  }
0xb3: {  	[tilespmem:$0x1FEA0] =	vst v0;
	v0 =	vld [tilespmem:$0x1FFC0];
	v61 =	vor.u32 v9, v24  }
0xb4: {  	v41 =	vld.idx.msk [tilespmem:v22+s13+$0x0], $0xffff  }
0xb5: {  	v62 =	vor.u32 v18, v24;
	v42 =	vld.idx.msk [tilespmem:v22+s14+$0x0], $0xffff  }
0xb6: {  	v43 =	vld.idx.msk [tilespmem:v29+s13+$0x0], $0xffff  }
0xb7: {  	v60 =	vor.u32 v1, v19;
	v44 =	vld.idx.msk [tilespmem:v29+s14+$0x0], $0xffff  }
0xb8: {  	v45 =	vld.idx.msk [tilespmem:v61+s13+$0x0], $0xffff  }
0xb9: {  	v8 =	vor.u32 v1, v24;
	v46 =	vld.idx.msk [tilespmem:v61+s14+$0x0], $0xffff  }
0xba: {  	v51 =	vld.idx.msk [tilespmem:v62+s13+$0x0], $0xffff  }
0xbb: {  	v22 =	vor.u32 v3, v24;
	v52 =	vld.idx.msk [tilespmem:v62+s14+$0x0], $0xffff  }
0xbc: {  	v36 =	vld.idx.msk [tilespmem:v60+s13+$0x0], $0xffff  }
0xbd: {  	v29 =	vor.u32 v4, v24;
	v10 =	vld.idx.msk [tilespmem:v60+s14+$0x0], $0xffff  }
0xbe: {  	v55 =	vld.idx.msk [tilespmem:v8+s13+$0x0], $0xffff  }
0xbf: {  	v2 =	vor.u32 v0, v19;
	v56 =	vld.idx.msk [tilespmem:v8+s14+$0x0], $0xffff  }
0xc0: {  	v47 =	vld.idx.msk [tilespmem:v22+s13+$0x0], $0xffff  }
0xc1: {  	s31 =	sadd.s32 $0x2, s30;
	v48 =	vld.idx.msk [tilespmem:v22+s14+$0x0], $0xffff  }
0xc2: {  	v63 =	vadd.s32 s31, v6;
	v22 =	vor.u32 v0, v24;
	v49 =	vld.idx.msk [tilespmem:v29+s13+$0x0], $0xffff  }
0xc3: {  	v50 =	vld.idx.msk [tilespmem:v29+s14+$0x0], $0xffff;
	v29 =	vand.u32 $0x7F, v63  }
0xc4: {  	v32 =	vld.idx.msk [tilespmem:v2+s13+$0x0], $0xffff;
	v38 =	vor.u32 v5, v29  }
0xc5: {  	v26 =	vld.idx.msk [tilespmem:v2+s14+$0x0], $0xffff  }
0xc6: {  	v24 =	vld.idx.msk [tilespmem:v24+s15+$0x0], $0xffff;
	v11 =	vor.u32 v7, v29  }
0xc7: {  	v53 =	vld.idx.msk [tilespmem:v22+s13+$0x0], $0xffff  }
0xc8: {  	v34 =	vor.u32 v3, v29;
	v54 =	vld.idx.msk [tilespmem:v22+s14+$0x0], $0xffff  }
0xc9: {  	v35 =	vld.idx.msk [tilespmem:v38+s13+$0x0], $0xffff  }
0xca: {  	v37 =	vor.u32 v4, v29;
	v58 =	vld.idx.msk [tilespmem:v38+s14+$0x0], $0xffff  }
0xcb: {  	v59 =	vld.idx.msk [tilespmem:v11+s13+$0x0], $0xffff  }
0xcc: {  	v8 =	vor.u32 v18, v29;
	v60 =	vld.idx.msk [tilespmem:v11+s14+$0x0], $0xffff  }
0xcd: {  	v63 =	vld.idx.msk [tilespmem:v34+s13+$0x0], $0xffff  }
0xce: {  	v22 =	vor.u32 v9, v29;
	v34 =	vld.idx.msk [tilespmem:v34+s14+$0x0], $0xffff  }
0xcf: {  	v31 =	vld.idx.msk [tilespmem:v37+s13+$0x0], $0xffff  }
0xd0: {  	v11 =	vor.u32 v0, v29;
	v25 =	vld.idx.msk [tilespmem:v37+s14+$0x0], $0xffff  }
0xd1: {  	v2 =	vld.idx.msk [tilespmem:v8+s13+$0x0], $0xffff  }
0xd2: {  	v37 =	vor.u32 v1, v29;
	v29 =	vld.idx.msk [tilespmem:v29+s15+$0x0], $0xffff  }
0xd3: {  	v61 =	vld.idx.msk [tilespmem:v22+s13+$0x0], $0xffff  }
0xd4: {  	s31 =	sadd.s32 $0x1, s30;
	v62 =	vld.idx.msk [tilespmem:v22+s14+$0x0], $0xffff  }
0xd5: {  	v43 =	vmul.f32 v44, v43;
	v22 =	vadd.s32 s31, v6;
	v6 =	vld.idx.msk [tilespmem:v11+s13+$0x0], $0xffff  }
0xd6: {  	v44 =	vmul.f32 v46, v45;
	v22 =	vand.u32 $0x7F, v22;
	v46 =	vmul.f32 v60, v59;
	v60 =	vld [tilespmem:$0x1FE50]  }
0xd7: {  	v40 =	vor.u32 v5, v22;
	v5 =	vld.idx.msk [tilespmem:v8+s14+$0x0], $0xffff  }
0xd8: {  	v39 =	vor.u32 v7, v22;
	v7 =	vld.idx.msk [tilespmem:v11+s14+$0x0], $0xffff  }
0xd9: {  	v8 =	vld.idx.msk [tilespmem:v37+s13+$0x0], $0xffff  }
0xda: {  	v38 =	vor.u32 v9, v22;
	v9 =	vld.idx.msk [tilespmem:v37+s14+$0x0], $0xffff  }
0xdb: {  	v37 =	vor.u32 v3, v22;
	v3 =	vld [tilespmem:$0x1FE10]  }
0xdc: {  	v21 =	vmul.f32 v21, v28;
	v28 =	vor.u32 v0, v22;
	v0 =	vld [tilespmem:$0x1FE40]  }
0xdd: {  	v45 =	vmul.f32 v58, v35;
	v35 =	vmul.f32 v62, v61;
	v61 =	vld [tilespmem:$0x1FE60]  }
0xde: {  	v11 =	vld.idx.msk [tilespmem:v40+s13+$0x0], $0xffff  }
0xdf: {  	v12 =	vld.idx.msk [tilespmem:v40+s14+$0x0], $0xffff  }
0xe0: {  	v13 =	vld.idx.msk [tilespmem:v39+s13+$0x0], $0xffff  }
0xe1: {  	v14 =	vld.idx.msk [tilespmem:v39+s14+$0x0], $0xffff  }
0xe2: {  	v15 =	vor.u32 v4, v22;
	v16 =	vld.idx.msk [tilespmem:v38+s13+$0x0], $0xffff  }
0xe3: {  	v40 =	vld [tilespmem:$0x1FE30]  }
0xe4: {  	v17 =	vld.idx.msk [tilespmem:v38+s14+$0x0], $0xffff  }
0xe5: {  	v18 =	vor.u32 v18, v22;
	v39 =	vld [tilespmem:$0x1FE20]  }
0xe6: {  	v20 =	vmul.f32 v20, v27;
	v27 =	vld.idx.msk [tilespmem:v37+s14+$0x0], $0xffff  }
0xe7: {  	v38 =	vmul.f32 v33, v30;
	v30 =	vld.idx.msk [tilespmem:v15+s13+$0x0], $0xffff  }
0xe8: {  	v4 =	vmul.f32 v23, v40;
	v23 =	vld.idx.msk [tilespmem:v37+s13+$0x0], $0xffff  }
0xe9: {  	v40 =	vmul.f32 v10, v36;
	v10 =	vld.idx.msk [tilespmem:v15+s14+$0x0], $0xffff  }
0xea: {  	v3 =	vmul.f32 v39, v3;
	v39 =	vmul.f32 v26, v32;
	v32 =	vld.idx.msk [tilespmem:v18+s13+$0x0], $0xffff  }
0xeb: {  	v42 =	vmul.f32 v42, v41;
	v34 =	vmul.f32 v34, v63;
	v15 =	vor.u32 v1, v22;
	v36 =	vld.idx.msk [tilespmem:v18+s14+$0x0], $0xffff  }
0xec: {  	v31 =	vmul.f32 v25, v31;
	v33 =	vmul.f32 v48, v47;
	v26 =	vld.idx.msk [tilespmem:v28+s13+$0x0], $0xffff  }
0xed: {  	v37 =	vmul.f32 v57, v0;
	v57 =	vmul.f32 v52, v51;
	v51 =	vld.idx.msk [tilespmem:v28+s14+$0x0], $0xffff  }
0xee: {  	v25 =	vmul.f32 v7, v6;
	v0 =	vmul.f32 v54, v53;
	v53 =	vld.idx.msk [tilespmem:v19+s15+$0x0], $0xffff  }
0xef: {  	v18 =	vmul.f32 v50, v49;
	v50 =	vmul.f32 v14, v13;
	v14 =	vld [tilespmem:$0x1FE70]  }
0xf0: {  	v59 =	vmul.f32 v9, v8;
	v28 =	vmul.f32 v5, v2;
	v52 =	vld.idx.msk [tilespmem:v15+s13+$0x0], $0xffff  }
0xf1: {  	p0 =	slt.u32 s30, $0x7C;
	v49 =	vmul.f32 v12, v11;
	v48 =	vmul.f32 v17, v16;
	v15 =	vld.idx.msk [tilespmem:v15+s14+$0x0], $0xffff  }
.Ltmp0:
0xf2: {  	v13 =	vld [tilespmem:$0x1FE80];
	[tilespmem:$0x1FF70] =	vst v0;
	v0 =	vmul.f32 v56, v55;
	v47 =	vmul.f32 v27, v23;
	(pc) =	sbr.rel @p0 .LBB2_2-.Ltmp0, $4  }
0xf3: {  	v17 =	vld [tilespmem:$0x1FE90];
	v41 =	vmul.f32 v10, v30;
	v36 =	vmul.f32 v36, v32  }
0xf4: {  	v23 =	vld [tilespmem:$0x1FEA0];
	v32 =	vmul.f32 v51, v26;
	v54 =	vmul.f32 v3, v53  }
0xf5: {  	v55 =	vmul.f32 v4, v53;
	v51 =	vmul.f32 v20, v53;
	v20 =	vld [tilespmem:$0x1FEB0]  }
0xf6: {  	s30 =	sadd.s32 $0x4, s30;
	v30 =	vmul.f32 v15, v52;
	v52 =	vmul.f32 v21, v53;
	v21 =	vld [tilespmem:$0x1FEC0]  }
0xf7: {  	_ =	sdelay $0x2  }
0xf8: {  	v63 =	vmul.f32 v37, v53  }
0xf9: {  	v1 =	vld.idx.msk [tilespmem:v22+s15+$0x0], $0xffff;
	v2 =	vmul.f32 v38, v53;
	v4 =	vmul.f32 v39, v53  }
0xfa: {  	v5 =	vmul.f32 v40, v53;
	v6 =	vmul.f32 v42, v24  }
0xfb: {  	v7 =	vmul.f32 v43, v24;
	v13 =	vadd.f32 v54, v13;
	v14 =	vadd.f32 v55, v14  }
0xfc: {  	v8 =	vmul.f32 v44, v24;
	v16 =	vadd.f32 v51, v17;
	v17 =	vadd.f32 v52, v61  }
0xfd: {  	v9 =	vmul.f32 v45, v29;
	v2 =	vadd.f32 v2, v60;
	v5 =	vadd.f32 v5, v23  }
0xfe: {  	v26 =	vmovc v0;
	v0 =	vadd.f32 v63, v20;
	v11 =	vmul.f32 v49, v1;
	v12 =	vmul.f32 v50, v1  }
0xff: {  	v4 =	vadd.f32 v4, v21;
	v15 =	vmul.f32 v48, v1;
	v19 =	vmul.f32 v47, v1  }
0x100: {  	v10 =	vmul.f32 v46, v29;
	v11 =	vadd.f32 v11, v13;
	v12 =	vadd.f32 v12, v14  }
0x101: {  	v13 =	vmul.f32 v35, v29;
	v14 =	vadd.f32 v15, v16;
	v15 =	vadd.f32 v19, v17  }
0x102: {  	v16 =	vmul.f32 v34, v29;
	v34 =	vmul.f32 v36, v1;
	v9 =	vadd.f32 v9, v11  }
0x103: {  	v17 =	vmul.f32 v33, v24;
	v10 =	vadd.f32 v10, v12;
	v12 =	vadd.f32 v13, v14  }
0x104: {  	v33 =	vmul.f32 v31, v29;
	v13 =	vadd.f32 v16, v15;
	v2 =	vadd.f32 v34, v2  }
0x105: {  	v38 =	vld [tilespmem:$0x1FED0];
	v14 =	vmul.f32 v41, v1;
	v6 =	vadd.f32 v6, v9;
	v7 =	vadd.f32 v7, v10  }
0x106: {  	v8 =	vadd.f32 v8, v12;
	v12 =	vmul.f32 v32, v1;
	v1 =	vmul.f32 v30, v1  }
0x107: {  	v41 =	vld [tilespmem:$0x1FF70];
	v35 =	vadd.f32 v17, v13;
	v13 =	vmul.f32 v28, v29;
	v0 =	vadd.f32 v14, v0  }
0x108: {  	v3 =	vmul.f32 v59, v29;
	v4 =	vadd.f32 v12, v4;
	v1 =	vadd.f32 v1, v5  }
0x109: {  	v37 =	vmul.f32 v18, v24;
	v0 =	vadd.f32 v33, v0;
	v2 =	vadd.f32 v13, v2  }
0x10a: {  	v36 =	vmul.f32 v25, v29;
	v6 =	vadd.f32 v6, v38;
	v40 =	vadd.f32 v7, v38  }
0x10b: {  	v39 =	vmul.f32 v57, v24;
	v42 =	vadd.f32 v8, v38;
	v44 =	vadd.f32 v35, v38  }
0x10c: {  	v7 =	vmul.f32 v41, v24;
	v4 =	vadd.f32 v36, v4;
	v0 =	vadd.f32 v37, v0;
	[tilespmem:$0x10500] =	vst v6  }
0x10d: {  	v43 =	vmul.f32 v26, v24;
	v1 =	vadd.f32 v3, v1;
	v2 =	vadd.f32 v39, v2;
	[tilespmem:$0x10510] =	vst v40  }
0x10e: {  	[tilespmem:$0x10520] =	vst v42;
	v4 =	vadd.f32 v7, v4;
	v0 =	vadd.f32 v0, v38  }
0x10f: {  	[tilespmem:$0x10530] =	vst v44;
	v1 =	vadd.f32 v43, v1;
	v2 =	vadd.f32 v2, v38  }
0x110: {  	[tilespmem:$0x10540] =	vst v0;
	v45 =	vadd.f32 v4, v38  }
0x111: {  	[tilespmem:$0x10550] =	vst v2;
	v1 =	vadd.f32 v1, v38  }
0x112: {  	[tilespmem:$0x10560] =	vst v45  }
0x113: {  	[tilespmem:$0x10570] =	vst v1  }
0x114: {  	_ =	swait.ge [sflag:s21], $0x4000  }
0x115: {  	[sflag:s21] =	ssyncset.done $0x0  }
0x116: {  	[sflag:s21] =	ssyncadd.s32 $0xFFFFC000  }
0x117: {  	_ =	swait.ge [sflag:s22], $0x4000  }
0x118: {  	v3 =	vld [tilespmem:$0x1FF80];
	_ =	sdelay $0x1  }
0x119: {  	s30 =	simm.s32 $0x0;
	v23 =	vlaneseq.u32  }
0x11a: {  	v46 =	vadd.s32 s30, v23  }
0x11b: {  	v11 =	vand.u32 $0x7F, v46  }
0x11c: {  	[sflag:s22] =	ssyncset.done $0x0;
	v0 =	vor.u32 v3, v11  }
0x11d: {  	[sflag:s22] =	ssyncadd.s32 $0xFFFFC000  }
0x11e: {  	[tilespmem:s13], [sflag:$0x1] =	stream.indirect.gather [hbm4b:s1+s12], $0x80, s23, s12, $0xb8;
	[tilespmem:$0x10700] =	vst v63  }
0x11f: {  	_ = 	snop  }
0x120: {  	[tilespmem:s14], [sflag:$0x3] =	stream.indirect.gather [hbm4b:s2+s12], $0x80, s24, s12, $0xb8;
	[tilespmem:$0x10700] =	vst v63  }
0x121: {  	v49 =	vld.idx.msk [tilespmem:v0+s18+$0x0], $0xffff;
	_ =	sdelay $0x1  }
0x122: {  	v25 =	vld [tilespmem:$0x1FFE0];
	_ =	sdelay $0x2  }
0x123: {  	[tilespmem:$0x1FDD0] =	vst v49  }
0x124: {  	v0 =	vld.idx.msk [tilespmem:v0+s20+$0x0], $0xffff  }
0x125: {  	v47 =	vor.u32 v25, v11  }
0x126: {  	v27 =	vld [tilespmem:$0x1FFF0];
	_ =	sdelay $0x2  }
0x127: {  	[tilespmem:$0x1FDE0] =	vst v0  }
0x128: {  	v0 =	vld.idx.msk [tilespmem:v47+s18+$0x0], $0xffff  }
0x129: {  	v48 =	vor.u32 v27, v11;
	_ =	sdelay $0x1  }
0x12a: {  	v5 =	vld [tilespmem:$0x1FF90];
	_ =	sdelay $0x1  }
0x12b: {  	v7 =	vld [tilespmem:$0x1FFA0];
	[tilespmem:$0x1FDF0] =	vst v0  }
0x12c: {  	v0 =	vld.idx.msk [tilespmem:v48+s18+$0x0], $0xffff  }
0x12d: {  	v45 =	vld [tilespmem:$0x1FFB0]  }
0x12e: {  	v1 =	vld [tilespmem:$0x1FFD0];
	v50 =	vor.u32 v5, v11  }
0x12f: {  	v39 =	vld [tilespmem:$0x1FDD0]  }
0x130: {  	v51 =	vor.u32 v7, v11;
	v40 =	vld.idx.msk [tilespmem:v47+s20+$0x0], $0xffff  }
0x131: {  	[tilespmem:$0x1FE00] =	vst v0;
	v0 =	vld [tilespmem:$0x1FFC0]  }
0x132: {  	v52 =	vor.u32 v45, v11;
	v2 =	vld.idx.msk [tilespmem:v48+s20+$0x0], $0xffff  }
0x133: {  	s30 =	simm.s32 $0x3;
	v9 =	vld.idx.msk [tilespmem:v50+s18+$0x0], $0xffff  }
0x134: {  	v14 =	vadd.s32 s30, v23;
	v13 =	vor.u32 v1, v11;
	v4 =	vld.idx.msk [tilespmem:v50+s20+$0x0], $0xffff  }
0x135: {  	v14 =	vand.u32 $0x7F, v14;
	v44 =	vld.idx.msk [tilespmem:v51+s18+$0x0], $0xffff  }
0x136: {  	v16 =	vor.u32 v3, v14;
	v6 =	vld.idx.msk [tilespmem:v51+s20+$0x0], $0xffff  }
0x137: {  	v42 =	vld.idx.msk [tilespmem:v52+s18+$0x0], $0xffff  }
0x138: {  	v18 =	vor.u32 v25, v14;
	v8 =	vld.idx.msk [tilespmem:v52+s20+$0x0], $0xffff  }
0x139: {  	v19 =	vld.idx.msk [tilespmem:v13+s18+$0x0], $0xffff  }
0x13a: {  	v20 =	vor.u32 v27, v14;
	v13 =	vld.idx.msk [tilespmem:v13+s20+$0x0], $0xffff  }
0x13b: {  	v21 =	vld.idx.msk [tilespmem:v16+s18+$0x0], $0xffff  }
0x13c: {  	v22 =	vor.u32 v5, v14;
	v12 =	vld.idx.msk [tilespmem:v16+s20+$0x0], $0xffff  }
0x13d: {  	v57 =	vld.idx.msk [tilespmem:v18+s18+$0x0], $0xffff  }
0x13e: {  	v24 =	vor.u32 v7, v14;
	v18 =	vld.idx.msk [tilespmem:v18+s20+$0x0], $0xffff  }
0x13f: {  	v58 =	vld.idx.msk [tilespmem:v20+s18+$0x0], $0xffff  }
0x140: {  	v26 =	vor.u32 v45, v14;
	v20 =	vld.idx.msk [tilespmem:v20+s20+$0x0], $0xffff  }
0x141: {  	s30 =	simm.s32 $0x2;
	v15 =	vld.idx.msk [tilespmem:v22+s18+$0x0], $0xffff  }
0x142: {  	v30 =	vadd.s32 s30, v23;
	v31 =	vor.u32 v1, v14;
	v28 =	vld.idx.msk [tilespmem:v22+s20+$0x0], $0xffff  }
0x143: {  	v56 =	vand.u32 $0x7F, v30;
	v29 =	vld.idx.msk [tilespmem:v24+s18+$0x0], $0xffff  }
0x144: {  	v54 =	vor.u32 v3, v56;
	v16 =	vld.idx.msk [tilespmem:v24+s20+$0x0], $0xffff  }
0x145: {  	v30 =	vld.idx.msk [tilespmem:v26+s18+$0x0], $0xffff  }
0x146: {  	v55 =	vor.u32 v25, v56;
	v26 =	vld.idx.msk [tilespmem:v26+s20+$0x0], $0xffff  }
0x147: {  	v36 =	vld.idx.msk [tilespmem:v31+s18+$0x0], $0xffff  }
0x148: {  	v59 =	vor.u32 v5, v56;
	v31 =	vld.idx.msk [tilespmem:v31+s20+$0x0], $0xffff  }
0x149: {  	v41 =	vld.idx.msk [tilespmem:v54+s18+$0x0], $0xffff  }
0x14a: {  	v60 =	vor.u32 v7, v56;
	v32 =	vld.idx.msk [tilespmem:v54+s20+$0x0], $0xffff  }
0x14b: {  	v61 =	vor.u32 v45, v56;
	v46 =	vld.idx.msk [tilespmem:v55+s18+$0x0], $0xffff  }
0x14c: {  	v47 =	vld.idx.msk [tilespmem:v55+s20+$0x0], $0xffff;
	v22 =	vor.u32 v0, v14  }
0x14d: {  	v50 =	vld.idx.msk [tilespmem:v59+s18+$0x0], $0xffff  }
0x14e: {  	v51 =	vld.idx.msk [tilespmem:v59+s20+$0x0], $0xffff  }
0x14f: {  	v63 =	vor.u32 v1, v56;
	v52 =	vld.idx.msk [tilespmem:v60+s18+$0x0], $0xffff  }
0x150: {  	v54 =	vld.idx.msk [tilespmem:v61+s18+$0x0], $0xffff  }
0x151: {  	v53 =	vor.u32 v0, v11;
	v34 =	vld.idx.msk [tilespmem:v22+s18+$0x0], $0xffff  }
0x152: {  	v35 =	vld.idx.msk [tilespmem:v22+s20+$0x0], $0xffff;
	v22 =	vor.u32 v27, v56  }
0x153: {  	v55 =	vld.idx.msk [tilespmem:v61+s20+$0x0], $0xffff  }
0x154: {  	v59 =	vld.idx.msk [tilespmem:v63+s18+$0x0], $0xffff  }
0x155: {  	v24 =	vld [tilespmem:$0x1FDE0]  }
0x156: {  	v17 =	vld.idx.msk [tilespmem:v53+s18+$0x0], $0xffff  }
0x157: {  	s30 =	simm.s32 $0x1;
	v62 =	vor.u32 v0, v56;
	v48 =	vld.idx.msk [tilespmem:v22+s18+$0x0], $0xffff  }
0x158: {  	v49 =	vld.idx.msk [tilespmem:v22+s20+$0x0], $0xffff;
	v22 =	vadd.s32 s30, v23  }
0x159: {  	v10 =	vld.idx.msk [tilespmem:v53+s20+$0x0], $0xffff;
	v22 =	vand.u32 $0x7F, v22  }
0x15a: {  	v53 =	vld.idx.msk [tilespmem:v60+s20+$0x0], $0xffff;
	v43 =	vor.u32 v3, v22  }
0x15b: {  	v60 =	vld.idx.msk [tilespmem:v63+s20+$0x0], $0xffff  }
0x15c: {  	v23 =	vld.idx.msk [tilespmem:v62+s18+$0x0], $0xffff;
	v3 =	vor.u32 v25, v22  }
0x15d: {  	v25 =	vld.idx.msk [tilespmem:v62+s20+$0x0], $0xffff  }
0x15e: {  	v37 =	vor.u32 v27, v22;
	v27 =	vmul.f32 v24, v39;
	v24 =	vld [tilespmem:$0x1FDF0]  }
0x15f: {  	v61 =	vld.idx.msk [tilespmem:v43+s18+$0x0], $0xffff  }
0x160: {  	v62 =	vld.idx.msk [tilespmem:v43+s20+$0x0], $0xffff  }
0x161: {  	v33 =	vor.u32 v5, v22;
	v63 =	vld.idx.msk [tilespmem:v3+s18+$0x0], $0xffff  }
0x162: {  	v3 =	vld.idx.msk [tilespmem:v3+s20+$0x0], $0xffff  }
0x163: {  	v4 =	vmul.f32 v4, v9;
	v38 =	vmul.f32 v8, v42;
	v45 =	vor.u32 v45, v22;
	v5 =	vld.idx.msk [tilespmem:v37+s18+$0x0], $0xffff  }
0x164: {  	v42 =	vmul.f32 v12, v21;
	v8 =	vor.u32 v0, v22;
	v43 =	vor.u32 v7, v22;
	v7 =	vld.idx.msk [tilespmem:v37+s20+$0x0], $0xffff  }
0x165: {  	v26 =	vmul.f32 v26, v30;
	v24 =	vmul.f32 v40, v24;
	v40 =	vld [tilespmem:$0x1FE00]  }
0x166: {  	v46 =	vmul.f32 v47, v46;
	v21 =	vmul.f32 v35, v34;
	v9 =	vld.idx.msk [tilespmem:v33+s18+$0x0], $0xffff  }
0x167: {  	v34 =	vmul.f32 v51, v50;
	v37 =	vmul.f32 v6, v44;
	v6 =	vld.idx.msk [tilespmem:v33+s20+$0x0], $0xffff  }
0x168: {  	v39 =	vmul.f32 v10, v17;
	v33 =	vmul.f32 v28, v15;
	v15 =	vld.idx.msk [tilespmem:v45+s18+$0x0], $0xffff  }
0x169: {  	v35 =	vmul.f32 v49, v48;
	v44 =	vmul.f32 v20, v58;
	v17 =	vld.idx.msk [tilespmem:v8+s18+$0x0], $0xffff  }
0x16a: {  	v8 =	vld.idx.msk [tilespmem:v8+s20+$0x0], $0xffff;
	v2 =	vmul.f32 v2, v40;
	v40 =	vmul.f32 v13, v19;
	v13 =	vor.u32 v1, v22  }
0x16b: {  	v20 =	vmul.f32 v31, v36;
	v58 =	vmul.f32 v53, v52;
	v53 =	vld.idx.msk [tilespmem:v11+s15+$0x0], $0xffff  }
0x16c: {  	v25 =	vmul.f32 v25, v23;
	v23 =	vmul.f32 v60, v59;
	v0 =	vld.idx.msk [tilespmem:v43+s18+$0x0], $0xffff  }
0x16d: {  	v12 =	vld.idx.msk [tilespmem:v43+s20+$0x0], $0xffff;
	v43 =	vmul.f32 v18, v57;
	v18 =	vmul.f32 v16, v29  }
0x16e: {  	v16 =	vld.idx.msk [tilespmem:v45+s20+$0x0], $0xffff;
	v45 =	vmul.f32 v32, v41;
	v57 =	vmul.f32 v55, v54  }
0x16f: {  	v49 =	vmul.f32 v62, v61;
	v50 =	vmul.f32 v3, v63;
	v19 =	vld.idx.msk [tilespmem:v13+s18+$0x0], $0xffff  }
0x170: {  	v28 =	vimm.f32 $0.0e+00;
	v48 =	vmul.f32 v7, v5;
	v47 =	vmul.f32 v6, v9;
	v13 =	vld.idx.msk [tilespmem:v13+s20+$0x0], $0xffff  }
0x171: {  	v59 =	vimm.f32 $0.0e+00;
	v32 =	vmul.f32 v8, v17;
	v54 =	vmul.f32 v27, v53  }
0x172: {  	v55 =	vmul.f32 v24, v53;
	v52 =	vmul.f32 v4, v53;
	v24 =	vld.idx.msk [tilespmem:v14+s15+$0x0], $0xffff;
	v17 =	vimm.f32 $0.0e+00  }
0x173: {  	v29 =	vld.idx.msk [tilespmem:v56+s15+$0x0], $0xffff;
	v62 =	vimm.f32 $0.0e+00;
	v56 =	vimm.f32 $0.0e+00;
	v51 =	vmul.f32 v2, v53  }
0x174: {  	v61 =	vimm.f32 $0.0e+00;
	v41 =	vmul.f32 v12, v0;
	v36 =	vmul.f32 v16, v15  }
0x175: {  	s30 =	simm.s32 $0x4;
	v15 =	vimm.f32 $0.0e+00;
	v16 =	vimm.f32 $0.0e+00;
	v30 =	vmul.f32 v13, v19  }
.LBB2_4:
0x176: {  	v60 =	vlaneseq.u32;
	v1 =	vmul.f32 v37, v53  }
0x177: {  	v2 =	vmul.f32 v38, v53;
	v4 =	vmul.f32 v40, v53;
	v0 =	vadd.s32 s30, v60  }
0x178: {  	v11 =	vld [tilespmem:$0x1FF80];
	v19 =	vand.u32 $0x7F, v0;
	v0 =	vmul.f32 v39, v53;
	v6 =	vmul.f32 v42, v24  }
0x179: {  	v3 =	vld.idx.msk [tilespmem:v22+s15+$0x0], $0xffff;
	v7 =	vmul.f32 v43, v24;
	v9 =	vmul.f32 v44, v24  }
0x17a: {  	v13 =	vld [tilespmem:$0x1FFE0];
	v10 =	vmul.f32 v33, v24;
	v33 =	vmul.f32 v18, v24  }
0x17b: {  	v37 =	vmul.f32 v26, v24;
	v26 =	vmul.f32 v45, v29  }
0x17c: {  	v12 =	vld [tilespmem:$0x1FFF0];
	v27 =	vmul.f32 v46, v29;
	v15 =	vadd.f32 v54, v15;
	v16 =	vadd.f32 v55, v16  }
0x17d: {  	v17 =	vadd.f32 v51, v17;
	v35 =	vmul.f32 v35, v29;
	v5 =	vor.u32 v11, v19  }
0x17e: {  	v14 =	vld [tilespmem:$0x1FF90];
	v18 =	vadd.f32 v52, v28;
	v34 =	vmul.f32 v34, v29;
	v54 =	vmul.f32 v48, v3  }
0x17f: {  	v31 =	vmul.f32 v58, v29;
	v1 =	vadd.f32 v1, v59;
	v8 =	vor.u32 v13, v19  }
0x180: {  	v28 =	vmul.f32 v57, v29;
	v2 =	vadd.f32 v2, v62;
	v17 =	vadd.f32 v54, v17  }
0x181: {  	v45 =	vmovc v20;
	v20 =	vld [tilespmem:$0x1FFA0];
	v43 =	vmul.f32 v21, v24;
	v22 =	vor.u32 v12, v19;
	v49 =	vmul.f32 v49, v3  }
0x182: {  	v53 =	vmul.f32 v50, v3;
	v55 =	vmul.f32 v47, v3;
	v17 =	vadd.f32 v35, v17;
	v35 =	vld.idx.msk [tilespmem:v5+s18+$0x0], $0xffff  }
0x183: {  	v38 =	vor.u32 v14, v19;
	v57 =	vmul.f32 v41, v3;
	v63 =	vmul.f32 v36, v3;
	v5 =	vld.idx.msk [tilespmem:v5+s20+$0x0], $0xffff  }
0x184: {  	v4 =	vadd.f32 v4, v61;
	v32 =	vmul.f32 v32, v3;
	v3 =	vmul.f32 v30, v3;
	v40 =	vld.idx.msk [tilespmem:v8+s18+$0x0], $0xffff  }
0x185: {  	v41 =	vmul.f32 v23, v29;
	v16 =	vadd.f32 v53, v16;
	v18 =	vadd.f32 v55, v18;
	v42 =	vld.idx.msk [tilespmem:v8+s20+$0x0], $0xffff  }
0x186: {  	s31 =	sadd.s32 $0x3, s30;
	v46 =	vmul.f32 v45, v24;
	v1 =	vadd.f32 v57, v1;
	v2 =	vadd.f32 v63, v2;
	v44 =	vld.idx.msk [tilespmem:v22+s18+$0x0], $0xffff  }
0x187: {  	v3 =	vadd.f32 v3, v4;
	v54 =	vadd.s32 s31, v60;
	v16 =	vadd.f32 v27, v16;
	v27 =	vld.idx.msk [tilespmem:v22+s20+$0x0], $0xffff  }
0x188: {  	v39 =	vor.u32 v20, v19;
	v18 =	vadd.f32 v34, v18;
	v2 =	vadd.f32 v28, v2;
	v28 =	vld.idx.msk [tilespmem:v38+s18+$0x0], $0xffff  }
0x189: {  	v24 =	vand.u32 $0x7F, v54;
	v1 =	vadd.f32 v31, v1;
	v3 =	vadd.f32 v41, v3;
	v31 =	vld.idx.msk [tilespmem:v38+s20+$0x0], $0xffff  }
0x18a: {  	v55 =	vor.u32 v11, v24;
	v10 =	vadd.f32 v10, v18;
	v18 =	vld [tilespmem:$0x1FFB0]  }
0x18b: {  	v15 =	vadd.f32 v49, v15;
	v49 =	vadd.f32 v46, v3;
	v3 =	vld [tilespmem:$0x1FFC0]  }
0x18c: {  	v0 =	vadd.f32 v0, v56;
	v56 =	vor.u32 v13, v24;
	v58 =	vadd.f32 v7, v16;
	v7 =	vld [tilespmem:$0x1FFD0]  }
0x18d: {  	v51 =	vld.idx.msk [tilespmem:v39+s18+$0x0], $0xffff  }
0x18e: {  	v15 =	vadd.f32 v26, v15;
	v57 =	vor.u32 v12, v24;
	v52 =	vld.idx.msk [tilespmem:v39+s20+$0x0], $0xffff  }
0x18f: {  	v36 =	vmul.f32 v25, v29;
	v0 =	vadd.f32 v32, v0;
	s31 =	sadd.s32 $0x2, s30;
	v26 =	vld.idx.msk [tilespmem:v55+s18+$0x0], $0xffff  }
0x190: {  	v29 =	vadd.s32 s31, v60;
	v22 =	vor.u32 v20, v24;
	v6 =	vadd.f32 v6, v15;
	v4 =	vld.idx.msk [tilespmem:v55+s20+$0x0], $0xffff  }
0x191: {  	v29 =	vand.u32 $0x7F, v29;
	v1 =	vadd.f32 v33, v1;
	v33 =	vld.idx.msk [tilespmem:v56+s18+$0x0], $0xffff  }
0x192: {  	v0 =	vadd.f32 v36, v0;
	v63 =	vor.u32 v13, v29;
	[tilespmem:$0x1FD90] =	vst v6;
	v6 =	vld.idx.msk [tilespmem:v56+s20+$0x0], $0xffff  }
0x193: {  	v34 =	vld.idx.msk [tilespmem:v57+s18+$0x0], $0xffff  }
0x194: {  	v0 =	vadd.f32 v43, v0;
	v8 =	vld.idx.msk [tilespmem:v57+s20+$0x0], $0xffff  }
0x195: {  	[tilespmem:$0x1FDB0] =	vst v58;
	v41 =	vld.idx.msk [tilespmem:v22+s18+$0x0], $0xffff  }
0x196: {  	[tilespmem:$0x1FD50] =	vst v0;
	v45 =	vld.idx.msk [tilespmem:v22+s20+$0x0], $0xffff  }
0x197: {  	v58 =	vor.u32 v14, v24;
	[tilespmem:$0x1FCE0] =	vst v35;
	v54 =	vld.idx.msk [tilespmem:v63+s20+$0x0], $0xffff  }
0x198: {  	v48 =	vadd.f32 v37, v2;
	[tilespmem:$0x1FCF0] =	vst v5;
	v37 =	vld [tilespmem:$0x1FCE0]  }
0x199: {  	v0 =	vor.u32 v12, v29;
	[tilespmem:$0x1FD00] =	vst v40;
	v39 =	vld [tilespmem:$0x1FCF0]  }
0x19a: {  	v62 =	vor.u32 v11, v29;
	v40 =	vld [tilespmem:$0x1FD00]  }
0x19b: {  	v59 =	vor.u32 v18, v24;
	v61 =	vor.u32 v3, v24;
	v22 =	vor.u32 v7, v24;
	v24 =	vld.idx.msk [tilespmem:v24+s15+$0x0], $0xffff  }
0x19c: {  	v36 =	vld.idx.msk [tilespmem:v58+s18+$0x0], $0xffff  }
0x19d: {  	[tilespmem:$0x1FDC0] =	vst v10;
	v47 =	vor.u32 v18, v19;
	v10 =	vld.idx.msk [tilespmem:v58+s20+$0x0], $0xffff  }
0x19e: {  	v55 =	vld.idx.msk [tilespmem:v0+s18+$0x0], $0xffff  }
0x19f: {  	v50 =	vor.u32 v3, v19;
	v56 =	vld.idx.msk [tilespmem:v0+s20+$0x0], $0xffff  }
0x1a0: {  	[tilespmem:$0x1FD30] =	vst v51;
	v51 =	vld.idx.msk [tilespmem:v62+s18+$0x0], $0xffff  }
0x1a1: {  	v53 =	vor.u32 v7, v19;
	[tilespmem:$0x1FD40] =	vst v52;
	v52 =	vld.idx.msk [tilespmem:v62+s20+$0x0], $0xffff  }
0x1a2: {  	v43 =	vld.idx.msk [tilespmem:v47+s18+$0x0], $0xffff  }
0x1a3: {  	v30 =	vld.idx.msk [tilespmem:v47+s20+$0x0], $0xffff  }
0x1a4: {  	[tilespmem:$0x1FD10] =	vst v42;
	v42 =	vld.idx.msk [tilespmem:v50+s18+$0x0], $0xffff  }
0x1a5: {  	v32 =	vld.idx.msk [tilespmem:v50+s20+$0x0], $0xffff  }
0x1a6: {  	v21 =	vld.idx.msk [tilespmem:v53+s18+$0x0], $0xffff  }
0x1a7: {  	v5 =	vld.idx.msk [tilespmem:v53+s20+$0x0], $0xffff  }
0x1a8: {  	v46 =	vld.idx.msk [tilespmem:v59+s18+$0x0], $0xffff  }
0x1a9: {  	v35 =	vld.idx.msk [tilespmem:v59+s20+$0x0], $0xffff  }
0x1aa: {  	[tilespmem:$0x1FD60] =	vst v1;
	v1 =	vor.u32 v20, v29;
	v47 =	vld.idx.msk [tilespmem:v61+s18+$0x0], $0xffff  }
0x1ab: {  	v9 =	vadd.f32 v9, v17;
	[tilespmem:$0x1FD70] =	vst v48;
	v2 =	vor.u32 v18, v29;
	v48 =	vld.idx.msk [tilespmem:v61+s20+$0x0], $0xffff  }
0x1ac: {  	[tilespmem:$0x1FD80] =	vst v49;
	v49 =	vld.idx.msk [tilespmem:v22+s18+$0x0], $0xffff  }
0x1ad: {  	[tilespmem:$0x1FDA0] =	vst v9;
	v9 =	vor.u32 v3, v29;
	v50 =	vld.idx.msk [tilespmem:v22+s20+$0x0], $0xffff  }
0x1ae: {  	v22 =	vor.u32 v14, v29;
	v53 =	vld.idx.msk [tilespmem:v63+s18+$0x0], $0xffff  }
0x1af: {  	v59 =	vld.idx.msk [tilespmem:v1+s18+$0x0], $0xffff  }
0x1b0: {  	v61 =	vld.idx.msk [tilespmem:v2+s18+$0x0], $0xffff  }
0x1b1: {  	[tilespmem:$0x1FD20] =	vst v44;
	v44 =	vor.u32 v7, v29;
	v62 =	vld.idx.msk [tilespmem:v2+s20+$0x0], $0xffff  }
0x1b2: {  	v63 =	vld.idx.msk [tilespmem:v9+s18+$0x0], $0xffff  }
0x1b3: {  	s31 =	sadd.s32 $0x1, s30;
	v57 =	vld.idx.msk [tilespmem:v22+s18+$0x0], $0xffff  }
0x1b4: {  	v58 =	vld.idx.msk [tilespmem:v22+s20+$0x0], $0xffff;
	v22 =	vadd.s32 s31, v60  }
0x1b5: {  	v25 =	vld.idx.msk [tilespmem:v9+s20+$0x0], $0xffff;
	v22 =	vand.u32 $0x7F, v22  }
0x1b6: {  	v23 =	vld.idx.msk [tilespmem:v44+s18+$0x0], $0xffff;
	v0 =	vor.u32 v11, v22  }
0x1b7: {  	v29 =	vld.idx.msk [tilespmem:v29+s15+$0x0], $0xffff  }
0x1b8: {  	v60 =	vld.idx.msk [tilespmem:v1+s20+$0x0], $0xffff;
	v1 =	vor.u32 v13, v22  }
0x1b9: {  	v11 =	vld.idx.msk [tilespmem:v44+s20+$0x0], $0xffff  }
0x1ba: {  	v2 =	vor.u32 v12, v22;
	v44 =	vor.u32 v20, v22;
	v20 =	vld [tilespmem:$0x1FD40]  }
0x1bb: {  	v9 =	vld.idx.msk [tilespmem:v0+s18+$0x0], $0xffff  }
0x1bc: {  	v13 =	vld.idx.msk [tilespmem:v0+s20+$0x0], $0xffff  }
0x1bd: {  	v38 =	vor.u32 v14, v22;
	v14 =	vld.idx.msk [tilespmem:v1+s18+$0x0], $0xffff  }
0x1be: {  	v15 =	vld.idx.msk [tilespmem:v1+s20+$0x0], $0xffff  }
0x1bf: {  	v16 =	vld.idx.msk [tilespmem:v2+s18+$0x0], $0xffff  }
0x1c0: {  	v17 =	vld.idx.msk [tilespmem:v2+s20+$0x0], $0xffff  }
0x1c1: {  	v7 =	vor.u32 v7, v22;
	v2 =	vmul.f32 v39, v37;
	v37 =	vld [tilespmem:$0x1FD10]  }
0x1c2: {  	v1 =	vld.idx.msk [tilespmem:v38+s18+$0x0], $0xffff  }
0x1c3: {  	v39 =	vld [tilespmem:$0x1FD20]  }
0x1c4: {  	v28 =	vmul.f32 v31, v28;
	v18 =	vor.u32 v18, v22;
	v31 =	vld.idx.msk [tilespmem:v38+s20+$0x0], $0xffff  }
0x1c5: {  	v38 =	vmul.f32 v30, v43;
	v30 =	vld.idx.msk [tilespmem:v44+s18+$0x0], $0xffff  }
0x1c6: {  	v25 =	vmul.f32 v25, v63;
	v0 =	vor.u32 v3, v22;
	v3 =	vld.idx.msk [tilespmem:v7+s18+$0x0], $0xffff  }
0x1c7: {  	v43 =	vmul.f32 v6, v33;
	v33 =	vmul.f32 v10, v36;
	v7 =	vld.idx.msk [tilespmem:v7+s20+$0x0], $0xffff  }
0x1c8: {  	v23 =	vmul.f32 v11, v23;
	v12 =	vmul.f32 v37, v40;
	v40 =	vld [tilespmem:$0x1FD30]  }
0x1c9: {  	v27 =	vmul.f32 v27, v39;
	v39 =	vmul.f32 v32, v42;
	v32 =	vld.idx.msk [tilespmem:v18+s18+$0x0], $0xffff  }
0x1ca: {  	v42 =	vmul.f32 v4, v26;
	v4 =	vld.idx.msk [tilespmem:v18+s20+$0x0], $0xffff;
	v18 =	vmul.f32 v45, v41  }
0x1cb: {  	v6 =	vld.idx.msk [tilespmem:v0+s18+$0x0], $0xffff;
	v26 =	vmul.f32 v35, v46;
	v45 =	vmul.f32 v52, v51  }
0x1cc: {  	v0 =	vld.idx.msk [tilespmem:v0+s20+$0x0], $0xffff;
	v46 =	vmul.f32 v54, v53;
	v35 =	vmul.f32 v56, v55  }
0x1cd: {  	v56 =	vld [tilespmem:$0x1FD50];
	v37 =	vmul.f32 v20, v40;
	v40 =	vmul.f32 v5, v21  }
0x1ce: {  	v5 =	vld.idx.msk [tilespmem:v44+s20+$0x0], $0xffff;
	v44 =	vmul.f32 v8, v34;
	v21 =	vmul.f32 v48, v47  }
0x1cf: {  	v53 =	vld.idx.msk [tilespmem:v19+s15+$0x0], $0xffff;
	v20 =	vmul.f32 v50, v49;
	v34 =	vmul.f32 v58, v57  }
0x1d0: {  	v58 =	vmul.f32 v60, v59;
	v59 =	vld [tilespmem:$0x1FD60];
	v57 =	vmul.f32 v62, v61  }
0x1d1: {  	p0 =	slt.u32 s30, $0x7C;
	v62 =	vld [tilespmem:$0x1FD70];
	v49 =	vmul.f32 v13, v9;
	v50 =	vmul.f32 v15, v14  }
.Ltmp1:
0x1d2: {  	v61 =	vld [tilespmem:$0x1FD80];
	v48 =	vmul.f32 v17, v16;
	v47 =	vmul.f32 v31, v1;
	(pc) =	sbr.rel @p0 .LBB2_4-.Ltmp1, $4  }
0x1d3: {  	v15 =	vld [tilespmem:$0x1FD90];
	v36 =	vmul.f32 v4, v32;
	v32 =	vmul.f32 v0, v6  }
0x1d4: {  	v17 =	vld [tilespmem:$0x1FDA0];
	v54 =	vmul.f32 v2, v53;
	v55 =	vmul.f32 v12, v53  }
0x1d5: {  	v16 =	vld [tilespmem:$0x1FDB0];
	v51 =	vmul.f32 v27, v53;
	v52 =	vmul.f32 v28, v53  }
0x1d6: {  	s30 =	sadd.s32 $0x4, s30;
	v28 =	vld [tilespmem:$0x1FDC0];
	v41 =	vmul.f32 v5, v30;
	v30 =	vmul.f32 v7, v3  }
0x1d7: {  	_ =	sdelay $0x2  }
0x1d8: {  	v0 =	vmul.f32 v37, v53;
	v2 =	vmul.f32 v38, v53  }
0x1d9: {  	v1 =	vld.idx.msk [tilespmem:v22+s15+$0x0], $0xffff;
	v3 =	vmul.f32 v39, v53;
	v4 =	vmul.f32 v40, v53  }
0x1da: {  	v5 =	vmul.f32 v42, v24;
	v6 =	vmul.f32 v43, v24  }
0x1db: {  	v7 =	vmul.f32 v44, v24;
	v8 =	vmul.f32 v45, v29  }
0x1dc: {  	v9 =	vmul.f32 v46, v29;
	v12 =	vadd.f32 v54, v15;
	v15 =	vadd.f32 v51, v17  }
0x1dd: {  	v58 =	vmul.f32 v58, v29;
	v0 =	vadd.f32 v0, v59;
	v2 =	vadd.f32 v2, v62  }
0x1de: {  	v3 =	vadd.f32 v3, v56;
	v4 =	vadd.f32 v4, v61;
	v10 =	vmul.f32 v49, v1  }
0x1df: {  	v13 =	vadd.f32 v55, v16;
	v11 =	vmul.f32 v50, v1;
	v14 =	vmul.f32 v48, v1  }
0x1e0: {  	v16 =	vadd.f32 v52, v28;
	v17 =	vmul.f32 v47, v1;
	v63 =	vmul.f32 v36, v1  }
0x1e1: {  	v10 =	vadd.f32 v10, v12;
	v11 =	vadd.f32 v11, v13;
	v12 =	vmul.f32 v35, v29  }
0x1e2: {  	v13 =	vadd.f32 v14, v15;
	v14 =	vadd.f32 v17, v16;
	v15 =	vmul.f32 v34, v29  }
0x1e3: {  	v34 =	vmul.f32 v32, v1;
	v2 =	vadd.f32 v63, v2;
	v8 =	vadd.f32 v8, v10  }
0x1e4: {  	v16 =	vmul.f32 v33, v24;
	v9 =	vadd.f32 v9, v11;
	v60 =	vadd.f32 v12, v13  }
0x1e5: {  	v38 =	vld [tilespmem:$0x1FED0];
	v12 =	vadd.f32 v15, v14;
	v13 =	vmul.f32 v41, v1;
	v3 =	vadd.f32 v34, v3  }
0x1e6: {  	v1 =	vmul.f32 v30, v1;
	v5 =	vadd.f32 v5, v8;
	v6 =	vadd.f32 v6, v9  }
0x1e7: {  	v35 =	vmul.f32 v25, v29;
	v7 =	vadd.f32 v7, v60;
	v0 =	vadd.f32 v13, v0  }
0x1e8: {  	v33 =	vadd.f32 v16, v12;
	v12 =	vmul.f32 v57, v29;
	v1 =	vadd.f32 v1, v4  }
0x1e9: {  	v36 =	vmul.f32 v23, v29;
	v3 =	vadd.f32 v35, v3;
	v0 =	vadd.f32 v58, v0  }
0x1ea: {  	v41 =	vmul.f32 v21, v24;
	v2 =	vadd.f32 v12, v2;
	v5 =	vadd.f32 v5, v38  }
0x1eb: {  	v37 =	vmul.f32 v18, v24;
	v1 =	vadd.f32 v36, v1;
	v40 =	vadd.f32 v6, v38  }
0x1ec: {  	v39 =	vmul.f32 v26, v24;
	v42 =	vadd.f32 v7, v38;
	v3 =	vadd.f32 v41, v3;
	[tilespmem:$0x10580] =	vst v5  }
0x1ed: {  	v43 =	vmul.f32 v20, v24;
	v44 =	vadd.f32 v33, v38;
	v0 =	vadd.f32 v37, v0;
	[tilespmem:$0x10590] =	vst v40  }
0x1ee: {  	v2 =	vadd.f32 v39, v2;
	[tilespmem:$0x105A0] =	vst v42;
	v45 =	vadd.f32 v3, v38  }
0x1ef: {  	v1 =	vadd.f32 v43, v1;
	[tilespmem:$0x105B0] =	vst v44;
	v0 =	vadd.f32 v0, v38  }
0x1f0: {  	v2 =	vadd.f32 v2, v38;
	[tilespmem:$0x105E0] =	vst v45  }
0x1f1: {  	v1 =	vadd.f32 v1, v38;
	[tilespmem:$0x105C0] =	vst v0  }
0x1f2: {  	[tilespmem:$0x105D0] =	vst v2  }
0x1f3: {  	[tilespmem:$0x105F0] =	vst v1  }
0x1f4: {  	_ =	swait.ge [sflag:s16], $0x4000  }
0x1f5: {  	[sflag:s16] =	ssyncset.done $0x0  }
0x1f6: {  	[sflag:s16] =	ssyncadd.s32 $0xFFFFC000  }
0x1f7: {  	_ =	swait.ge [sflag:s17], $0x4000  }
0x1f8: {  	v3 =	vld [tilespmem:$0x1FF80];
	_ =	sdelay $0x1  }
0x1f9: {  	s30 =	simm.s32 $0x0;
	v23 =	vlaneseq.u32  }
0x1fa: {  	v46 =	vadd.s32 s30, v23  }
0x1fb: {  	v11 =	vand.u32 $0x7F, v46  }
0x1fc: {  	[sflag:s17] =	ssyncset.done $0x0;
	v0 =	vor.u32 v3, v11  }
0x1fd: {  	[sflag:s17] =	ssyncadd.s32 $0xFFFFC000  }
0x1fe: {  	[tilespmem:s18], [sflag:$0x2] =	stream.indirect.gather [hbm4b:s1+s12], $0x80, s25, s12, $0xb8;
	[tilespmem:$0x10700] =	vst v63  }
0x1ff: {  	_ = 	snop  }
0x200: {  	[tilespmem:s20], [sflag:$0x4] =	stream.indirect.gather [hbm4b:s2+s12], $0x80, s26, s12, $0xb8;
	[tilespmem:$0x10700] =	vst v63  }
0x201: {  	v49 =	vld.idx.msk [tilespmem:v0+s13+$0x0], $0xffff;
	_ =	sdelay $0x1  }
0x202: {  	v25 =	vld [tilespmem:$0x1FFE0];
	_ =	sdelay $0x2  }
0x203: {  	[tilespmem:$0x1FCA0] =	vst v49  }
0x204: {  	v0 =	vld.idx.msk [tilespmem:v0+s14+$0x0], $0xffff  }
0x205: {  	v47 =	vor.u32 v25, v11  }
0x206: {  	v27 =	vld [tilespmem:$0x1FFF0];
	_ =	sdelay $0x2  }
0x207: {  	[tilespmem:$0x1FCB0] =	vst v0  }
0x208: {  	v0 =	vld.idx.msk [tilespmem:v47+s13+$0x0], $0xffff  }
0x209: {  	v48 =	vor.u32 v27, v11;
	_ =	sdelay $0x1  }
0x20a: {  	v5 =	vld [tilespmem:$0x1FF90];
	_ =	sdelay $0x1  }
0x20b: {  	v7 =	vld [tilespmem:$0x1FFA0];
	[tilespmem:$0x1FCC0] =	vst v0  }
0x20c: {  	v0 =	vld.idx.msk [tilespmem:v48+s13+$0x0], $0xffff  }
0x20d: {  	v45 =	vld [tilespmem:$0x1FFB0]  }
0x20e: {  	v1 =	vld [tilespmem:$0x1FFD0];
	v50 =	vor.u32 v5, v11  }
0x20f: {  	v39 =	vld [tilespmem:$0x1FCA0]  }
0x210: {  	v51 =	vor.u32 v7, v11;
	v40 =	vld.idx.msk [tilespmem:v47+s14+$0x0], $0xffff  }
0x211: {  	[tilespmem:$0x1FCD0] =	vst v0;
	v0 =	vld [tilespmem:$0x1FFC0]  }
0x212: {  	v52 =	vor.u32 v45, v11;
	v2 =	vld.idx.msk [tilespmem:v48+s14+$0x0], $0xffff  }
0x213: {  	s30 =	simm.s32 $0x3;
	v9 =	vld.idx.msk [tilespmem:v50+s13+$0x0], $0xffff  }
0x214: {  	v14 =	vadd.s32 s30, v23;
	v13 =	vor.u32 v1, v11;
	v4 =	vld.idx.msk [tilespmem:v50+s14+$0x0], $0xffff  }
0x215: {  	v14 =	vand.u32 $0x7F, v14;
	v44 =	vld.idx.msk [tilespmem:v51+s13+$0x0], $0xffff  }
0x216: {  	v16 =	vor.u32 v3, v14;
	v6 =	vld.idx.msk [tilespmem:v51+s14+$0x0], $0xffff  }
0x217: {  	v42 =	vld.idx.msk [tilespmem:v52+s13+$0x0], $0xffff  }
0x218: {  	v18 =	vor.u32 v25, v14;
	v8 =	vld.idx.msk [tilespmem:v52+s14+$0x0], $0xffff  }
0x219: {  	v19 =	vld.idx.msk [tilespmem:v13+s13+$0x0], $0xffff  }
0x21a: {  	v20 =	vor.u32 v27, v14;
	v13 =	vld.idx.msk [tilespmem:v13+s14+$0x0], $0xffff  }
0x21b: {  	v21 =	vld.idx.msk [tilespmem:v16+s13+$0x0], $0xffff  }
0x21c: {  	v22 =	vor.u32 v5, v14;
	v12 =	vld.idx.msk [tilespmem:v16+s14+$0x0], $0xffff  }
0x21d: {  	v57 =	vld.idx.msk [tilespmem:v18+s13+$0x0], $0xffff  }
0x21e: {  	v24 =	vor.u32 v7, v14;
	v18 =	vld.idx.msk [tilespmem:v18+s14+$0x0], $0xffff  }
0x21f: {  	v58 =	vld.idx.msk [tilespmem:v20+s13+$0x0], $0xffff  }
0x220: {  	v26 =	vor.u32 v45, v14;
	v20 =	vld.idx.msk [tilespmem:v20+s14+$0x0], $0xffff  }
0x221: {  	s30 =	simm.s32 $0x2;
	v15 =	vld.idx.msk [tilespmem:v22+s13+$0x0], $0xffff  }
0x222: {  	v30 =	vadd.s32 s30, v23;
	v31 =	vor.u32 v1, v14;
	v28 =	vld.idx.msk [tilespmem:v22+s14+$0x0], $0xffff  }
0x223: {  	v56 =	vand.u32 $0x7F, v30;
	v29 =	vld.idx.msk [tilespmem:v24+s13+$0x0], $0xffff  }
0x224: {  	v54 =	vor.u32 v3, v56;
	v16 =	vld.idx.msk [tilespmem:v24+s14+$0x0], $0xffff  }
0x225: {  	v30 =	vld.idx.msk [tilespmem:v26+s13+$0x0], $0xffff  }
0x226: {  	v55 =	vor.u32 v25, v56;
	v26 =	vld.idx.msk [tilespmem:v26+s14+$0x0], $0xffff  }
0x227: {  	v36 =	vld.idx.msk [tilespmem:v31+s13+$0x0], $0xffff  }
0x228: {  	v59 =	vor.u32 v5, v56;
	v31 =	vld.idx.msk [tilespmem:v31+s14+$0x0], $0xffff  }
0x229: {  	v41 =	vld.idx.msk [tilespmem:v54+s13+$0x0], $0xffff  }
0x22a: {  	v60 =	vor.u32 v7, v56;
	v32 =	vld.idx.msk [tilespmem:v54+s14+$0x0], $0xffff  }
0x22b: {  	v61 =	vor.u32 v45, v56;
	v46 =	vld.idx.msk [tilespmem:v55+s13+$0x0], $0xffff  }
0x22c: {  	v47 =	vld.idx.msk [tilespmem:v55+s14+$0x0], $0xffff;
	v22 =	vor.u32 v0, v14  }
0x22d: {  	v50 =	vld.idx.msk [tilespmem:v59+s13+$0x0], $0xffff  }
0x22e: {  	v51 =	vld.idx.msk [tilespmem:v59+s14+$0x0], $0xffff  }
0x22f: {  	v63 =	vor.u32 v1, v56;
	v52 =	vld.idx.msk [tilespmem:v60+s13+$0x0], $0xffff  }
0x230: {  	v54 =	vld.idx.msk [tilespmem:v61+s13+$0x0], $0xffff  }
0x231: {  	v53 =	vor.u32 v0, v11;
	v34 =	vld.idx.msk [tilespmem:v22+s13+$0x0], $0xffff  }
0x232: {  	v35 =	vld.idx.msk [tilespmem:v22+s14+$0x0], $0xffff;
	v22 =	vor.u32 v27, v56  }
0x233: {  	v55 =	vld.idx.msk [tilespmem:v61+s14+$0x0], $0xffff  }
0x234: {  	v59 =	vld.idx.msk [tilespmem:v63+s13+$0x0], $0xffff  }
0x235: {  	v24 =	vld [tilespmem:$0x1FCB0]  }
0x236: {  	v17 =	vld.idx.msk [tilespmem:v53+s13+$0x0], $0xffff  }
0x237: {  	s30 =	simm.s32 $0x1;
	v62 =	vor.u32 v0, v56;
	v48 =	vld.idx.msk [tilespmem:v22+s13+$0x0], $0xffff  }
0x238: {  	v49 =	vld.idx.msk [tilespmem:v22+s14+$0x0], $0xffff;
	v22 =	vadd.s32 s30, v23  }
0x239: {  	v10 =	vld.idx.msk [tilespmem:v53+s14+$0x0], $0xffff;
	v22 =	vand.u32 $0x7F, v22  }
0x23a: {  	v53 =	vld.idx.msk [tilespmem:v60+s14+$0x0], $0xffff;
	v43 =	vor.u32 v3, v22  }
0x23b: {  	v60 =	vld.idx.msk [tilespmem:v63+s14+$0x0], $0xffff  }
0x23c: {  	v23 =	vld.idx.msk [tilespmem:v62+s13+$0x0], $0xffff;
	v3 =	vor.u32 v25, v22  }
0x23d: {  	v25 =	vld.idx.msk [tilespmem:v62+s14+$0x0], $0xffff  }
0x23e: {  	v37 =	vor.u32 v27, v22;
	v27 =	vmul.f32 v24, v39;
	v24 =	vld [tilespmem:$0x1FCC0]  }
0x23f: {  	v61 =	vld.idx.msk [tilespmem:v43+s13+$0x0], $0xffff  }
0x240: {  	v62 =	vld.idx.msk [tilespmem:v43+s14+$0x0], $0xffff  }
0x241: {  	v33 =	vor.u32 v5, v22;
	v63 =	vld.idx.msk [tilespmem:v3+s13+$0x0], $0xffff  }
0x242: {  	v3 =	vld.idx.msk [tilespmem:v3+s14+$0x0], $0xffff  }
0x243: {  	v4 =	vmul.f32 v4, v9;
	v38 =	vmul.f32 v8, v42;
	v45 =	vor.u32 v45, v22;
	v5 =	vld.idx.msk [tilespmem:v37+s13+$0x0], $0xffff  }
0x244: {  	v42 =	vmul.f32 v12, v21;
	v8 =	vor.u32 v0, v22;
	v43 =	vor.u32 v7, v22;
	v7 =	vld.idx.msk [tilespmem:v37+s14+$0x0], $0xffff  }
0x245: {  	v26 =	vmul.f32 v26, v30;
	v24 =	vmul.f32 v40, v24;
	v40 =	vld [tilespmem:$0x1FCD0]  }
0x246: {  	v46 =	vmul.f32 v47, v46;
	v21 =	vmul.f32 v35, v34;
	v9 =	vld.idx.msk [tilespmem:v33+s13+$0x0], $0xffff  }
0x247: {  	v34 =	vmul.f32 v51, v50;
	v37 =	vmul.f32 v6, v44;
	v6 =	vld.idx.msk [tilespmem:v33+s14+$0x0], $0xffff  }
0x248: {  	v39 =	vmul.f32 v10, v17;
	v33 =	vmul.f32 v28, v15;
	v15 =	vld.idx.msk [tilespmem:v45+s13+$0x0], $0xffff  }
0x249: {  	v35 =	vmul.f32 v49, v48;
	v44 =	vmul.f32 v20, v58;
	v17 =	vld.idx.msk [tilespmem:v8+s13+$0x0], $0xffff  }
0x24a: {  	v8 =	vld.idx.msk [tilespmem:v8+s14+$0x0], $0xffff;
	v2 =	vmul.f32 v2, v40;
	v40 =	vmul.f32 v13, v19;
	v13 =	vor.u32 v1, v22  }
0x24b: {  	v20 =	vmul.f32 v31, v36;
	v58 =	vmul.f32 v53, v52;
	v53 =	vld.idx.msk [tilespmem:v11+s15+$0x0], $0xffff  }
0x24c: {  	v25 =	vmul.f32 v25, v23;
	v23 =	vmul.f32 v60, v59;
	v0 =	vld.idx.msk [tilespmem:v43+s13+$0x0], $0xffff  }
0x24d: {  	v12 =	vld.idx.msk [tilespmem:v43+s14+$0x0], $0xffff;
	v43 =	vmul.f32 v18, v57;
	v18 =	vmul.f32 v16, v29  }
0x24e: {  	v16 =	vld.idx.msk [tilespmem:v45+s14+$0x0], $0xffff;
	v45 =	vmul.f32 v32, v41;
	v57 =	vmul.f32 v55, v54  }
0x24f: {  	v49 =	vmul.f32 v62, v61;
	v50 =	vmul.f32 v3, v63;
	v19 =	vld.idx.msk [tilespmem:v13+s13+$0x0], $0xffff  }
0x250: {  	v28 =	vimm.f32 $0.0e+00;
	v48 =	vmul.f32 v7, v5;
	v47 =	vmul.f32 v6, v9;
	v13 =	vld.idx.msk [tilespmem:v13+s14+$0x0], $0xffff  }
0x251: {  	v59 =	vimm.f32 $0.0e+00;
	v32 =	vmul.f32 v8, v17;
	v54 =	vmul.f32 v27, v53  }
0x252: {  	v55 =	vmul.f32 v24, v53;
	v52 =	vmul.f32 v4, v53;
	v24 =	vld.idx.msk [tilespmem:v14+s15+$0x0], $0xffff;
	v17 =	vimm.f32 $0.0e+00  }
0x253: {  	v29 =	vld.idx.msk [tilespmem:v56+s15+$0x0], $0xffff;
	v62 =	vimm.f32 $0.0e+00;
	v56 =	vimm.f32 $0.0e+00;
	v51 =	vmul.f32 v2, v53  }
0x254: {  	v61 =	vimm.f32 $0.0e+00;
	v41 =	vmul.f32 v12, v0;
	v36 =	vmul.f32 v16, v15  }
0x255: {  	s30 =	simm.s32 $0x4;
	v15 =	vimm.f32 $0.0e+00;
	v16 =	vimm.f32 $0.0e+00;
	v30 =	vmul.f32 v13, v19  }
.LBB2_6:
0x256: {  	v60 =	vlaneseq.u32;
	v1 =	vmul.f32 v37, v53  }
0x257: {  	v2 =	vmul.f32 v38, v53;
	v4 =	vmul.f32 v40, v53;
	v0 =	vadd.s32 s30, v60  }
0x258: {  	v11 =	vld [tilespmem:$0x1FF80];
	v19 =	vand.u32 $0x7F, v0;
	v0 =	vmul.f32 v39, v53;
	v6 =	vmul.f32 v42, v24  }
0x259: {  	v3 =	vld.idx.msk [tilespmem:v22+s15+$0x0], $0xffff;
	v7 =	vmul.f32 v43, v24;
	v9 =	vmul.f32 v44, v24  }
0x25a: {  	v13 =	vld [tilespmem:$0x1FFE0];
	v10 =	vmul.f32 v33, v24;
	v33 =	vmul.f32 v18, v24  }
0x25b: {  	v37 =	vmul.f32 v26, v24;
	v26 =	vmul.f32 v45, v29  }
0x25c: {  	v12 =	vld [tilespmem:$0x1FFF0];
	v27 =	vmul.f32 v46, v29;
	v15 =	vadd.f32 v54, v15;
	v16 =	vadd.f32 v55, v16  }
0x25d: {  	v17 =	vadd.f32 v51, v17;
	v35 =	vmul.f32 v35, v29;
	v5 =	vor.u32 v11, v19  }
0x25e: {  	v14 =	vld [tilespmem:$0x1FF90];
	v18 =	vadd.f32 v52, v28;
	v34 =	vmul.f32 v34, v29;
	v54 =	vmul.f32 v48, v3  }
0x25f: {  	v31 =	vmul.f32 v58, v29;
	v1 =	vadd.f32 v1, v59;
	v8 =	vor.u32 v13, v19  }
0x260: {  	v28 =	vmul.f32 v57, v29;
	v2 =	vadd.f32 v2, v62;
	v17 =	vadd.f32 v54, v17  }
0x261: {  	v45 =	vmovc v20;
	v20 =	vld [tilespmem:$0x1FFA0];
	v43 =	vmul.f32 v21, v24;
	v22 =	vor.u32 v12, v19;
	v49 =	vmul.f32 v49, v3  }
0x262: {  	v53 =	vmul.f32 v50, v3;
	v55 =	vmul.f32 v47, v3;
	v17 =	vadd.f32 v35, v17;
	v35 =	vld.idx.msk [tilespmem:v5+s13+$0x0], $0xffff  }
0x263: {  	v38 =	vor.u32 v14, v19;
	v57 =	vmul.f32 v41, v3;
	v63 =	vmul.f32 v36, v3;
	v5 =	vld.idx.msk [tilespmem:v5+s14+$0x0], $0xffff  }
0x264: {  	v4 =	vadd.f32 v4, v61;
	v32 =	vmul.f32 v32, v3;
	v3 =	vmul.f32 v30, v3;
	v40 =	vld.idx.msk [tilespmem:v8+s13+$0x0], $0xffff  }
0x265: {  	v41 =	vmul.f32 v23, v29;
	v16 =	vadd.f32 v53, v16;
	v18 =	vadd.f32 v55, v18;
	v42 =	vld.idx.msk [tilespmem:v8+s14+$0x0], $0xffff  }
0x266: {  	s31 =	sadd.s32 $0x3, s30;
	v46 =	vmul.f32 v45, v24;
	v1 =	vadd.f32 v57, v1;
	v2 =	vadd.f32 v63, v2;
	v44 =	vld.idx.msk [tilespmem:v22+s13+$0x0], $0xffff  }
0x267: {  	v3 =	vadd.f32 v3, v4;
	v54 =	vadd.s32 s31, v60;
	v16 =	vadd.f32 v27, v16;
	v27 =	vld.idx.msk [tilespmem:v22+s14+$0x0], $0xffff  }
0x268: {  	v39 =	vor.u32 v20, v19;
	v18 =	vadd.f32 v34, v18;
	v2 =	vadd.f32 v28, v2;
	v28 =	vld.idx.msk [tilespmem:v38+s13+$0x0], $0xffff  }
0x269: {  	v24 =	vand.u32 $0x7F, v54;
	v1 =	vadd.f32 v31, v1;
	v3 =	vadd.f32 v41, v3;
	v31 =	vld.idx.msk [tilespmem:v38+s14+$0x0], $0xffff  }
0x26a: {  	v55 =	vor.u32 v11, v24;
	v10 =	vadd.f32 v10, v18;
	v18 =	vld [tilespmem:$0x1FFB0]  }
0x26b: {  	v15 =	vadd.f32 v49, v15;
	v49 =	vadd.f32 v46, v3;
	v3 =	vld [tilespmem:$0x1FFC0]  }
0x26c: {  	v0 =	vadd.f32 v0, v56;
	v56 =	vor.u32 v13, v24;
	v58 =	vadd.f32 v7, v16;
	v7 =	vld [tilespmem:$0x1FFD0]  }
0x26d: {  	v51 =	vld.idx.msk [tilespmem:v39+s13+$0x0], $0xffff  }
0x26e: {  	v15 =	vadd.f32 v26, v15;
	v57 =	vor.u32 v12, v24;
	v52 =	vld.idx.msk [tilespmem:v39+s14+$0x0], $0xffff  }
0x26f: {  	v36 =	vmul.f32 v25, v29;
	v0 =	vadd.f32 v32, v0;
	s31 =	sadd.s32 $0x2, s30;
	v26 =	vld.idx.msk [tilespmem:v55+s13+$0x0], $0xffff  }
0x270: {  	v29 =	vadd.s32 s31, v60;
	v22 =	vor.u32 v20, v24;
	v6 =	vadd.f32 v6, v15;
	v4 =	vld.idx.msk [tilespmem:v55+s14+$0x0], $0xffff  }
0x271: {  	v29 =	vand.u32 $0x7F, v29;
	v1 =	vadd.f32 v33, v1;
	v33 =	vld.idx.msk [tilespmem:v56+s13+$0x0], $0xffff  }
0x272: {  	v0 =	vadd.f32 v36, v0;
	v63 =	vor.u32 v13, v29;
	[tilespmem:$0x1FC60] =	vst v6;
	v6 =	vld.idx.msk [tilespmem:v56+s14+$0x0], $0xffff  }
0x273: {  	v34 =	vld.idx.msk [tilespmem:v57+s13+$0x0], $0xffff  }
0x274: {  	v0 =	vadd.f32 v43, v0;
	v8 =	vld.idx.msk [tilespmem:v57+s14+$0x0], $0xffff  }
0x275: {  	[tilespmem:$0x1FC80] =	vst v58;
	v41 =	vld.idx.msk [tilespmem:v22+s13+$0x0], $0xffff  }
0x276: {  	[tilespmem:$0x1FC20] =	vst v0;
	v45 =	vld.idx.msk [tilespmem:v22+s14+$0x0], $0xffff  }
0x277: {  	v58 =	vor.u32 v14, v24;
	[tilespmem:$0x1FBB0] =	vst v35;
	v54 =	vld.idx.msk [tilespmem:v63+s14+$0x0], $0xffff  }
0x278: {  	v48 =	vadd.f32 v37, v2;
	[tilespmem:$0x1FBC0] =	vst v5;
	v37 =	vld [tilespmem:$0x1FBB0]  }
0x279: {  	v0 =	vor.u32 v12, v29;
	[tilespmem:$0x1FBD0] =	vst v40;
	v39 =	vld [tilespmem:$0x1FBC0]  }
0x27a: {  	v62 =	vor.u32 v11, v29;
	v40 =	vld [tilespmem:$0x1FBD0]  }
0x27b: {  	v59 =	vor.u32 v18, v24;
	v61 =	vor.u32 v3, v24;
	v22 =	vor.u32 v7, v24;
	v24 =	vld.idx.msk [tilespmem:v24+s15+$0x0], $0xffff  }
0x27c: {  	v36 =	vld.idx.msk [tilespmem:v58+s13+$0x0], $0xffff  }
0x27d: {  	[tilespmem:$0x1FC90] =	vst v10;
	v47 =	vor.u32 v18, v19;
	v10 =	vld.idx.msk [tilespmem:v58+s14+$0x0], $0xffff  }
0x27e: {  	v55 =	vld.idx.msk [tilespmem:v0+s13+$0x0], $0xffff  }
0x27f: {  	v50 =	vor.u32 v3, v19;
	v56 =	vld.idx.msk [tilespmem:v0+s14+$0x0], $0xffff  }
0x280: {  	[tilespmem:$0x1FC00] =	vst v51;
	v51 =	vld.idx.msk [tilespmem:v62+s13+$0x0], $0xffff  }
0x281: {  	v53 =	vor.u32 v7, v19;
	[tilespmem:$0x1FC10] =	vst v52;
	v52 =	vld.idx.msk [tilespmem:v62+s14+$0x0], $0xffff  }
0x282: {  	v43 =	vld.idx.msk [tilespmem:v47+s13+$0x0], $0xffff  }
0x283: {  	v30 =	vld.idx.msk [tilespmem:v47+s14+$0x0], $0xffff  }
0x284: {  	[tilespmem:$0x1FBE0] =	vst v42;
	v42 =	vld.idx.msk [tilespmem:v50+s13+$0x0], $0xffff  }
0x285: {  	v32 =	vld.idx.msk [tilespmem:v50+s14+$0x0], $0xffff  }
0x286: {  	v21 =	vld.idx.msk [tilespmem:v53+s13+$0x0], $0xffff  }
0x287: {  	v5 =	vld.idx.msk [tilespmem:v53+s14+$0x0], $0xffff  }
0x288: {  	v46 =	vld.idx.msk [tilespmem:v59+s13+$0x0], $0xffff  }
0x289: {  	v35 =	vld.idx.msk [tilespmem:v59+s14+$0x0], $0xffff  }
0x28a: {  	[tilespmem:$0x1FC30] =	vst v1;
	v1 =	vor.u32 v20, v29;
	v47 =	vld.idx.msk [tilespmem:v61+s13+$0x0], $0xffff  }
0x28b: {  	v9 =	vadd.f32 v9, v17;
	[tilespmem:$0x1FC40] =	vst v48;
	v2 =	vor.u32 v18, v29;
	v48 =	vld.idx.msk [tilespmem:v61+s14+$0x0], $0xffff  }
0x28c: {  	[tilespmem:$0x1FC50] =	vst v49;
	v49 =	vld.idx.msk [tilespmem:v22+s13+$0x0], $0xffff  }
0x28d: {  	[tilespmem:$0x1FC70] =	vst v9;
	v9 =	vor.u32 v3, v29;
	v50 =	vld.idx.msk [tilespmem:v22+s14+$0x0], $0xffff  }
0x28e: {  	v22 =	vor.u32 v14, v29;
	v53 =	vld.idx.msk [tilespmem:v63+s13+$0x0], $0xffff  }
0x28f: {  	v59 =	vld.idx.msk [tilespmem:v1+s13+$0x0], $0xffff  }
0x290: {  	v61 =	vld.idx.msk [tilespmem:v2+s13+$0x0], $0xffff  }
0x291: {  	[tilespmem:$0x1FBF0] =	vst v44;
	v44 =	vor.u32 v7, v29;
	v62 =	vld.idx.msk [tilespmem:v2+s14+$0x0], $0xffff  }
0x292: {  	v63 =	vld.idx.msk [tilespmem:v9+s13+$0x0], $0xffff  }
0x293: {  	s31 =	sadd.s32 $0x1, s30;
	v57 =	vld.idx.msk [tilespmem:v22+s13+$0x0], $0xffff  }
0x294: {  	v58 =	vld.idx.msk [tilespmem:v22+s14+$0x0], $0xffff;
	v22 =	vadd.s32 s31, v60  }
0x295: {  	v25 =	vld.idx.msk [tilespmem:v9+s14+$0x0], $0xffff;
	v22 =	vand.u32 $0x7F, v22  }
0x296: {  	v23 =	vld.idx.msk [tilespmem:v44+s13+$0x0], $0xffff;
	v0 =	vor.u32 v11, v22  }
0x297: {  	v29 =	vld.idx.msk [tilespmem:v29+s15+$0x0], $0xffff  }
0x298: {  	v60 =	vld.idx.msk [tilespmem:v1+s14+$0x0], $0xffff;
	v1 =	vor.u32 v13, v22  }
0x299: {  	v11 =	vld.idx.msk [tilespmem:v44+s14+$0x0], $0xffff  }
0x29a: {  	v2 =	vor.u32 v12, v22;
	v44 =	vor.u32 v20, v22;
	v20 =	vld [tilespmem:$0x1FC10]  }
0x29b: {  	v9 =	vld.idx.msk [tilespmem:v0+s13+$0x0], $0xffff  }
0x29c: {  	v13 =	vld.idx.msk [tilespmem:v0+s14+$0x0], $0xffff  }
0x29d: {  	v38 =	vor.u32 v14, v22;
	v14 =	vld.idx.msk [tilespmem:v1+s13+$0x0], $0xffff  }
0x29e: {  	v15 =	vld.idx.msk [tilespmem:v1+s14+$0x0], $0xffff  }
0x29f: {  	v16 =	vld.idx.msk [tilespmem:v2+s13+$0x0], $0xffff  }
0x2a0: {  	v17 =	vld.idx.msk [tilespmem:v2+s14+$0x0], $0xffff  }
0x2a1: {  	v7 =	vor.u32 v7, v22;
	v2 =	vmul.f32 v39, v37;
	v37 =	vld [tilespmem:$0x1FBE0]  }
0x2a2: {  	v1 =	vld.idx.msk [tilespmem:v38+s13+$0x0], $0xffff  }
0x2a3: {  	v39 =	vld [tilespmem:$0x1FBF0]  }
0x2a4: {  	v28 =	vmul.f32 v31, v28;
	v18 =	vor.u32 v18, v22;
	v31 =	vld.idx.msk [tilespmem:v38+s14+$0x0], $0xffff  }
0x2a5: {  	v38 =	vmul.f32 v30, v43;
	v30 =	vld.idx.msk [tilespmem:v44+s13+$0x0], $0xffff  }
0x2a6: {  	v25 =	vmul.f32 v25, v63;
	v0 =	vor.u32 v3, v22;
	v3 =	vld.idx.msk [tilespmem:v7+s13+$0x0], $0xffff  }
0x2a7: {  	v43 =	vmul.f32 v6, v33;
	v33 =	vmul.f32 v10, v36;
	v7 =	vld.idx.msk [tilespmem:v7+s14+$0x0], $0xffff  }
0x2a8: {  	v23 =	vmul.f32 v11, v23;
	v12 =	vmul.f32 v37, v40;
	v40 =	vld [tilespmem:$0x1FC00]  }
0x2a9: {  	v27 =	vmul.f32 v27, v39;
	v39 =	vmul.f32 v32, v42;
	v32 =	vld.idx.msk [tilespmem:v18+s13+$0x0], $0xffff  }
0x2aa: {  	v42 =	vmul.f32 v4, v26;
	v4 =	vld.idx.msk [tilespmem:v18+s14+$0x0], $0xffff;
	v18 =	vmul.f32 v45, v41  }
0x2ab: {  	v6 =	vld.idx.msk [tilespmem:v0+s13+$0x0], $0xffff;
	v26 =	vmul.f32 v35, v46;
	v45 =	vmul.f32 v52, v51  }
0x2ac: {  	v0 =	vld.idx.msk [tilespmem:v0+s14+$0x0], $0xffff;
	v46 =	vmul.f32 v54, v53;
	v35 =	vmul.f32 v56, v55  }
0x2ad: {  	v56 =	vld [tilespmem:$0x1FC20];
	v37 =	vmul.f32 v20, v40;
	v40 =	vmul.f32 v5, v21  }
0x2ae: {  	v5 =	vld.idx.msk [tilespmem:v44+s14+$0x0], $0xffff;
	v44 =	vmul.f32 v8, v34;
	v21 =	vmul.f32 v48, v47  }
0x2af: {  	v53 =	vld.idx.msk [tilespmem:v19+s15+$0x0], $0xffff;
	v20 =	vmul.f32 v50, v49;
	v34 =	vmul.f32 v58, v57  }
0x2b0: {  	v58 =	vmul.f32 v60, v59;
	v59 =	vld [tilespmem:$0x1FC30];
	v57 =	vmul.f32 v62, v61  }
0x2b1: {  	p0 =	slt.u32 s30, $0x7C;
	v62 =	vld [tilespmem:$0x1FC40];
	v49 =	vmul.f32 v13, v9;
	v50 =	vmul.f32 v15, v14  }
.Ltmp2:
0x2b2: {  	v61 =	vld [tilespmem:$0x1FC50];
	v48 =	vmul.f32 v17, v16;
	v47 =	vmul.f32 v31, v1;
	(pc) =	sbr.rel @p0 .LBB2_6-.Ltmp2, $4  }
0x2b3: {  	v15 =	vld [tilespmem:$0x1FC60];
	v36 =	vmul.f32 v4, v32;
	v32 =	vmul.f32 v0, v6  }
0x2b4: {  	v17 =	vld [tilespmem:$0x1FC70];
	v54 =	vmul.f32 v2, v53;
	v55 =	vmul.f32 v12, v53  }
0x2b5: {  	v16 =	vld [tilespmem:$0x1FC80];
	v51 =	vmul.f32 v27, v53;
	v52 =	vmul.f32 v28, v53  }
0x2b6: {  	s30 =	sadd.s32 $0x4, s30;
	v28 =	vld [tilespmem:$0x1FC90];
	v41 =	vmul.f32 v5, v30;
	v30 =	vmul.f32 v7, v3  }
0x2b7: {  	_ =	sdelay $0x2  }
0x2b8: {  	v0 =	vmul.f32 v37, v53;
	v2 =	vmul.f32 v38, v53  }
0x2b9: {  	v1 =	vld.idx.msk [tilespmem:v22+s15+$0x0], $0xffff;
	v3 =	vmul.f32 v39, v53;
	v4 =	vmul.f32 v40, v53  }
0x2ba: {  	v5 =	vmul.f32 v42, v24;
	v6 =	vmul.f32 v43, v24  }
0x2bb: {  	v7 =	vmul.f32 v44, v24;
	v8 =	vmul.f32 v45, v29  }
0x2bc: {  	v9 =	vmul.f32 v46, v29;
	v12 =	vadd.f32 v54, v15;
	v15 =	vadd.f32 v51, v17  }
0x2bd: {  	v58 =	vmul.f32 v58, v29;
	v0 =	vadd.f32 v0, v59;
	v2 =	vadd.f32 v2, v62  }
0x2be: {  	v3 =	vadd.f32 v3, v56;
	v4 =	vadd.f32 v4, v61;
	v10 =	vmul.f32 v49, v1  }
0x2bf: {  	v13 =	vadd.f32 v55, v16;
	v11 =	vmul.f32 v50, v1;
	v14 =	vmul.f32 v48, v1  }
0x2c0: {  	v16 =	vadd.f32 v52, v28;
	v17 =	vmul.f32 v47, v1;
	v63 =	vmul.f32 v36, v1  }
0x2c1: {  	v10 =	vadd.f32 v10, v12;
	v11 =	vadd.f32 v11, v13;
	v12 =	vmul.f32 v35, v29  }
0x2c2: {  	v13 =	vadd.f32 v14, v15;
	v14 =	vadd.f32 v17, v16;
	v15 =	vmul.f32 v34, v29  }
0x2c3: {  	v34 =	vmul.f32 v32, v1;
	v2 =	vadd.f32 v63, v2;
	v8 =	vadd.f32 v8, v10  }
0x2c4: {  	v16 =	vmul.f32 v33, v24;
	v9 =	vadd.f32 v9, v11;
	v60 =	vadd.f32 v12, v13  }
0x2c5: {  	v38 =	vld [tilespmem:$0x1FED0];
	v12 =	vadd.f32 v15, v14;
	v13 =	vmul.f32 v41, v1;
	v3 =	vadd.f32 v34, v3  }
0x2c6: {  	v1 =	vmul.f32 v30, v1;
	v5 =	vadd.f32 v5, v8;
	v6 =	vadd.f32 v6, v9  }
0x2c7: {  	v35 =	vmul.f32 v25, v29;
	v7 =	vadd.f32 v7, v60;
	v0 =	vadd.f32 v13, v0  }
0x2c8: {  	v33 =	vadd.f32 v16, v12;
	v12 =	vmul.f32 v57, v29;
	v1 =	vadd.f32 v1, v4  }
0x2c9: {  	v36 =	vmul.f32 v23, v29;
	v3 =	vadd.f32 v35, v3;
	v0 =	vadd.f32 v58, v0  }
0x2ca: {  	v41 =	vmul.f32 v21, v24;
	v2 =	vadd.f32 v12, v2;
	v5 =	vadd.f32 v5, v38  }
0x2cb: {  	v37 =	vmul.f32 v18, v24;
	v1 =	vadd.f32 v36, v1;
	v40 =	vadd.f32 v6, v38  }
0x2cc: {  	v39 =	vmul.f32 v26, v24;
	v42 =	vadd.f32 v7, v38;
	v3 =	vadd.f32 v41, v3;
	[tilespmem:$0x10600] =	vst v5  }
0x2cd: {  	v43 =	vmul.f32 v20, v24;
	v44 =	vadd.f32 v33, v38;
	v0 =	vadd.f32 v37, v0;
	[tilespmem:$0x10610] =	vst v40  }
0x2ce: {  	v2 =	vadd.f32 v39, v2;
	[tilespmem:$0x10620] =	vst v42;
	v45 =	vadd.f32 v3, v38  }
0x2cf: {  	v1 =	vadd.f32 v43, v1;
	[tilespmem:$0x10630] =	vst v44;
	v0 =	vadd.f32 v0, v38  }
0x2d0: {  	v2 =	vadd.f32 v2, v38;
	[tilespmem:$0x10660] =	vst v45  }
0x2d1: {  	v1 =	vadd.f32 v1, v38;
	[tilespmem:$0x10640] =	vst v0  }
0x2d2: {  	[tilespmem:$0x10650] =	vst v2  }
0x2d3: {  	[tilespmem:$0x10670] =	vst v1  }
0x2d4: {  	_ =	swait.ge [sflag:s21], $0x4000  }
0x2d5: {  	v3 =	vld [tilespmem:$0x1FF80];
	_ =	sdelay $0x1  }
0x2d6: {  	s30 =	simm.s32 $0x0;
	v23 =	vlaneseq.u32  }
0x2d7: {  	v46 =	vadd.s32 s30, v23  }
0x2d8: {  	v11 =	vand.u32 $0x7F, v46  }
0x2d9: {  	[sflag:s21] =	ssyncset.done $0x0;
	v0 =	vor.u32 v3, v11  }
0x2da: {  	[sflag:s21] =	ssyncadd.s32 $0xFFFFC000  }
0x2db: {  	_ =	swait.ge [sflag:s22], $0x4000  }
0x2dc: {  	[sflag:s22] =	ssyncset.done $0x0  }
0x2dd: {  	[sflag:s22] =	ssyncadd.s32 $0xFFFFC000  }
0x2de: {  	v49 =	vld.idx.msk [tilespmem:v0+s18+$0x0], $0xffff;
	_ =	sdelay $0x1  }
0x2df: {  	v25 =	vld [tilespmem:$0x1FFE0];
	_ =	sdelay $0x2  }
0x2e0: {  	[tilespmem:$0x1FB70] =	vst v49  }
0x2e1: {  	v0 =	vld.idx.msk [tilespmem:v0+s20+$0x0], $0xffff  }
0x2e2: {  	v47 =	vor.u32 v25, v11  }
0x2e3: {  	v27 =	vld [tilespmem:$0x1FFF0];
	_ =	sdelay $0x2  }
0x2e4: {  	[tilespmem:$0x1FB80] =	vst v0  }
0x2e5: {  	v0 =	vld.idx.msk [tilespmem:v47+s18+$0x0], $0xffff  }
0x2e6: {  	v48 =	vor.u32 v27, v11;
	_ =	sdelay $0x1  }
0x2e7: {  	v5 =	vld [tilespmem:$0x1FF90];
	_ =	sdelay $0x1  }
0x2e8: {  	v7 =	vld [tilespmem:$0x1FFA0];
	[tilespmem:$0x1FB90] =	vst v0  }
0x2e9: {  	v0 =	vld.idx.msk [tilespmem:v48+s18+$0x0], $0xffff  }
0x2ea: {  	v45 =	vld [tilespmem:$0x1FFB0]  }
0x2eb: {  	v1 =	vld [tilespmem:$0x1FFD0];
	v50 =	vor.u32 v5, v11  }
0x2ec: {  	v39 =	vld [tilespmem:$0x1FB70]  }
0x2ed: {  	v51 =	vor.u32 v7, v11;
	v40 =	vld.idx.msk [tilespmem:v47+s20+$0x0], $0xffff  }
0x2ee: {  	[tilespmem:$0x1FBA0] =	vst v0;
	v0 =	vld [tilespmem:$0x1FFC0]  }
0x2ef: {  	v52 =	vor.u32 v45, v11;
	v2 =	vld.idx.msk [tilespmem:v48+s20+$0x0], $0xffff  }
0x2f0: {  	s30 =	simm.s32 $0x3;
	v9 =	vld.idx.msk [tilespmem:v50+s18+$0x0], $0xffff  }
0x2f1: {  	v14 =	vadd.s32 s30, v23;
	v13 =	vor.u32 v1, v11;
	v4 =	vld.idx.msk [tilespmem:v50+s20+$0x0], $0xffff  }
0x2f2: {  	v14 =	vand.u32 $0x7F, v14;
	v44 =	vld.idx.msk [tilespmem:v51+s18+$0x0], $0xffff  }
0x2f3: {  	v16 =	vor.u32 v3, v14;
	v6 =	vld.idx.msk [tilespmem:v51+s20+$0x0], $0xffff  }
0x2f4: {  	v42 =	vld.idx.msk [tilespmem:v52+s18+$0x0], $0xffff  }
0x2f5: {  	v18 =	vor.u32 v25, v14;
	v8 =	vld.idx.msk [tilespmem:v52+s20+$0x0], $0xffff  }
0x2f6: {  	v19 =	vld.idx.msk [tilespmem:v13+s18+$0x0], $0xffff  }
0x2f7: {  	v20 =	vor.u32 v27, v14;
	v13 =	vld.idx.msk [tilespmem:v13+s20+$0x0], $0xffff  }
0x2f8: {  	v21 =	vld.idx.msk [tilespmem:v16+s18+$0x0], $0xffff  }
0x2f9: {  	v22 =	vor.u32 v5, v14;
	v12 =	vld.idx.msk [tilespmem:v16+s20+$0x0], $0xffff  }
0x2fa: {  	v57 =	vld.idx.msk [tilespmem:v18+s18+$0x0], $0xffff  }
0x2fb: {  	v24 =	vor.u32 v7, v14;
	v18 =	vld.idx.msk [tilespmem:v18+s20+$0x0], $0xffff  }
0x2fc: {  	v58 =	vld.idx.msk [tilespmem:v20+s18+$0x0], $0xffff  }
0x2fd: {  	v26 =	vor.u32 v45, v14;
	v20 =	vld.idx.msk [tilespmem:v20+s20+$0x0], $0xffff  }
0x2fe: {  	s30 =	simm.s32 $0x2;
	v15 =	vld.idx.msk [tilespmem:v22+s18+$0x0], $0xffff  }
0x2ff: {  	v30 =	vadd.s32 s30, v23;
	v31 =	vor.u32 v1, v14;
	v28 =	vld.idx.msk [tilespmem:v22+s20+$0x0], $0xffff  }
0x300: {  	v56 =	vand.u32 $0x7F, v30;
	v29 =	vld.idx.msk [tilespmem:v24+s18+$0x0], $0xffff  }
0x301: {  	v54 =	vor.u32 v3, v56;
	v16 =	vld.idx.msk [tilespmem:v24+s20+$0x0], $0xffff  }
0x302: {  	v30 =	vld.idx.msk [tilespmem:v26+s18+$0x0], $0xffff  }
0x303: {  	v55 =	vor.u32 v25, v56;
	v26 =	vld.idx.msk [tilespmem:v26+s20+$0x0], $0xffff  }
0x304: {  	v36 =	vld.idx.msk [tilespmem:v31+s18+$0x0], $0xffff  }
0x305: {  	v59 =	vor.u32 v5, v56;
	v31 =	vld.idx.msk [tilespmem:v31+s20+$0x0], $0xffff  }
0x306: {  	v41 =	vld.idx.msk [tilespmem:v54+s18+$0x0], $0xffff  }
0x307: {  	v60 =	vor.u32 v7, v56;
	v32 =	vld.idx.msk [tilespmem:v54+s20+$0x0], $0xffff  }
0x308: {  	v61 =	vor.u32 v45, v56;
	v46 =	vld.idx.msk [tilespmem:v55+s18+$0x0], $0xffff  }
0x309: {  	v47 =	vld.idx.msk [tilespmem:v55+s20+$0x0], $0xffff;
	v22 =	vor.u32 v0, v14  }
0x30a: {  	v50 =	vld.idx.msk [tilespmem:v59+s18+$0x0], $0xffff  }
0x30b: {  	v51 =	vld.idx.msk [tilespmem:v59+s20+$0x0], $0xffff  }
0x30c: {  	v63 =	vor.u32 v1, v56;
	v52 =	vld.idx.msk [tilespmem:v60+s18+$0x0], $0xffff  }
0x30d: {  	v54 =	vld.idx.msk [tilespmem:v61+s18+$0x0], $0xffff  }
0x30e: {  	v53 =	vor.u32 v0, v11;
	v34 =	vld.idx.msk [tilespmem:v22+s18+$0x0], $0xffff  }
0x30f: {  	v35 =	vld.idx.msk [tilespmem:v22+s20+$0x0], $0xffff;
	v22 =	vor.u32 v27, v56  }
0x310: {  	v55 =	vld.idx.msk [tilespmem:v61+s20+$0x0], $0xffff  }
0x311: {  	v59 =	vld.idx.msk [tilespmem:v63+s18+$0x0], $0xffff  }
0x312: {  	v24 =	vld [tilespmem:$0x1FB80]  }
0x313: {  	v17 =	vld.idx.msk [tilespmem:v53+s18+$0x0], $0xffff  }
0x314: {  	s30 =	simm.s32 $0x1;
	v62 =	vor.u32 v0, v56;
	v48 =	vld.idx.msk [tilespmem:v22+s18+$0x0], $0xffff  }
0x315: {  	v49 =	vld.idx.msk [tilespmem:v22+s20+$0x0], $0xffff;
	v22 =	vadd.s32 s30, v23  }
0x316: {  	v10 =	vld.idx.msk [tilespmem:v53+s20+$0x0], $0xffff;
	v22 =	vand.u32 $0x7F, v22  }
0x317: {  	v53 =	vld.idx.msk [tilespmem:v60+s20+$0x0], $0xffff;
	v43 =	vor.u32 v3, v22  }
0x318: {  	v60 =	vld.idx.msk [tilespmem:v63+s20+$0x0], $0xffff  }
0x319: {  	v23 =	vld.idx.msk [tilespmem:v62+s18+$0x0], $0xffff;
	v3 =	vor.u32 v25, v22  }
0x31a: {  	v25 =	vld.idx.msk [tilespmem:v62+s20+$0x0], $0xffff  }
0x31b: {  	v37 =	vor.u32 v27, v22;
	v27 =	vmul.f32 v24, v39;
	v24 =	vld [tilespmem:$0x1FB90]  }
0x31c: {  	v61 =	vld.idx.msk [tilespmem:v43+s18+$0x0], $0xffff  }
0x31d: {  	v62 =	vld.idx.msk [tilespmem:v43+s20+$0x0], $0xffff  }
0x31e: {  	v33 =	vor.u32 v5, v22;
	v63 =	vld.idx.msk [tilespmem:v3+s18+$0x0], $0xffff  }
0x31f: {  	v3 =	vld.idx.msk [tilespmem:v3+s20+$0x0], $0xffff  }
0x320: {  	v4 =	vmul.f32 v4, v9;
	v38 =	vmul.f32 v8, v42;
	v45 =	vor.u32 v45, v22;
	v5 =	vld.idx.msk [tilespmem:v37+s18+$0x0], $0xffff  }
0x321: {  	v42 =	vmul.f32 v12, v21;
	v8 =	vor.u32 v0, v22;
	v43 =	vor.u32 v7, v22;
	v7 =	vld.idx.msk [tilespmem:v37+s20+$0x0], $0xffff  }
0x322: {  	v26 =	vmul.f32 v26, v30;
	v24 =	vmul.f32 v40, v24;
	v40 =	vld [tilespmem:$0x1FBA0]  }
0x323: {  	v46 =	vmul.f32 v47, v46;
	v21 =	vmul.f32 v35, v34;
	v9 =	vld.idx.msk [tilespmem:v33+s18+$0x0], $0xffff  }
0x324: {  	v34 =	vmul.f32 v51, v50;
	v37 =	vmul.f32 v6, v44;
	v6 =	vld.idx.msk [tilespmem:v33+s20+$0x0], $0xffff  }
0x325: {  	v39 =	vmul.f32 v10, v17;
	v33 =	vmul.f32 v28, v15;
	v15 =	vld.idx.msk [tilespmem:v45+s18+$0x0], $0xffff  }
0x326: {  	v35 =	vmul.f32 v49, v48;
	v44 =	vmul.f32 v20, v58;
	v17 =	vld.idx.msk [tilespmem:v8+s18+$0x0], $0xffff  }
0x327: {  	v8 =	vld.idx.msk [tilespmem:v8+s20+$0x0], $0xffff;
	v2 =	vmul.f32 v2, v40;
	v40 =	vmul.f32 v13, v19;
	v13 =	vor.u32 v1, v22  }
0x328: {  	v20 =	vmul.f32 v31, v36;
	v58 =	vmul.f32 v53, v52;
	v53 =	vld.idx.msk [tilespmem:v11+s15+$0x0], $0xffff  }
0x329: {  	v25 =	vmul.f32 v25, v23;
	v23 =	vmul.f32 v60, v59;
	v0 =	vld.idx.msk [tilespmem:v43+s18+$0x0], $0xffff  }
0x32a: {  	v12 =	vld.idx.msk [tilespmem:v43+s20+$0x0], $0xffff;
	v43 =	vmul.f32 v18, v57;
	v18 =	vmul.f32 v16, v29  }
0x32b: {  	v16 =	vld.idx.msk [tilespmem:v45+s20+$0x0], $0xffff;
	v45 =	vmul.f32 v32, v41;
	v57 =	vmul.f32 v55, v54  }
0x32c: {  	v49 =	vmul.f32 v62, v61;
	v50 =	vmul.f32 v3, v63;
	v19 =	vld.idx.msk [tilespmem:v13+s18+$0x0], $0xffff  }
0x32d: {  	v28 =	vimm.f32 $0.0e+00;
	v48 =	vmul.f32 v7, v5;
	v47 =	vmul.f32 v6, v9;
	v13 =	vld.idx.msk [tilespmem:v13+s20+$0x0], $0xffff  }
0x32e: {  	v59 =	vimm.f32 $0.0e+00;
	v32 =	vmul.f32 v8, v17;
	v54 =	vmul.f32 v27, v53  }
0x32f: {  	v55 =	vmul.f32 v24, v53;
	v52 =	vmul.f32 v4, v53;
	v24 =	vld.idx.msk [tilespmem:v14+s15+$0x0], $0xffff;
	v17 =	vimm.f32 $0.0e+00  }
0x330: {  	v29 =	vld.idx.msk [tilespmem:v56+s15+$0x0], $0xffff;
	v62 =	vimm.f32 $0.0e+00;
	v56 =	vimm.f32 $0.0e+00;
	v51 =	vmul.f32 v2, v53  }
0x331: {  	v61 =	vimm.f32 $0.0e+00;
	v41 =	vmul.f32 v12, v0;
	v36 =	vmul.f32 v16, v15  }
0x332: {  	s30 =	simm.s32 $0x4;
	v15 =	vimm.f32 $0.0e+00;
	v16 =	vimm.f32 $0.0e+00;
	v30 =	vmul.f32 v13, v19  }
.LBB2_8:
0x333: {  	v60 =	vlaneseq.u32;
	v1 =	vmul.f32 v37, v53  }
0x334: {  	v2 =	vmul.f32 v38, v53;
	v4 =	vmul.f32 v40, v53;
	v0 =	vadd.s32 s30, v60  }
0x335: {  	v11 =	vld [tilespmem:$0x1FF80];
	v19 =	vand.u32 $0x7F, v0;
	v0 =	vmul.f32 v39, v53;
	v6 =	vmul.f32 v42, v24  }
0x336: {  	v3 =	vld.idx.msk [tilespmem:v22+s15+$0x0], $0xffff;
	v7 =	vmul.f32 v43, v24;
	v9 =	vmul.f32 v44, v24  }
0x337: {  	v13 =	vld [tilespmem:$0x1FFE0];
	v10 =	vmul.f32 v33, v24;
	v33 =	vmul.f32 v18, v24  }
0x338: {  	v37 =	vmul.f32 v26, v24;
	v26 =	vmul.f32 v45, v29  }
0x339: {  	v12 =	vld [tilespmem:$0x1FFF0];
	v27 =	vmul.f32 v46, v29;
	v15 =	vadd.f32 v54, v15;
	v16 =	vadd.f32 v55, v16  }
0x33a: {  	v17 =	vadd.f32 v51, v17;
	v35 =	vmul.f32 v35, v29;
	v5 =	vor.u32 v11, v19  }
0x33b: {  	v14 =	vld [tilespmem:$0x1FF90];
	v18 =	vadd.f32 v52, v28;
	v34 =	vmul.f32 v34, v29;
	v54 =	vmul.f32 v48, v3  }
0x33c: {  	v31 =	vmul.f32 v58, v29;
	v1 =	vadd.f32 v1, v59;
	v8 =	vor.u32 v13, v19  }
0x33d: {  	v28 =	vmul.f32 v57, v29;
	v2 =	vadd.f32 v2, v62;
	v17 =	vadd.f32 v54, v17  }
0x33e: {  	v45 =	vmovc v20;
	v20 =	vld [tilespmem:$0x1FFA0];
	v43 =	vmul.f32 v21, v24;
	v22 =	vor.u32 v12, v19;
	v49 =	vmul.f32 v49, v3  }
0x33f: {  	v53 =	vmul.f32 v50, v3;
	v55 =	vmul.f32 v47, v3;
	v17 =	vadd.f32 v35, v17;
	v35 =	vld.idx.msk [tilespmem:v5+s18+$0x0], $0xffff  }
0x340: {  	v38 =	vor.u32 v14, v19;
	v57 =	vmul.f32 v41, v3;
	v63 =	vmul.f32 v36, v3;
	v5 =	vld.idx.msk [tilespmem:v5+s20+$0x0], $0xffff  }
0x341: {  	v4 =	vadd.f32 v4, v61;
	v32 =	vmul.f32 v32, v3;
	v3 =	vmul.f32 v30, v3;
	v40 =	vld.idx.msk [tilespmem:v8+s18+$0x0], $0xffff  }
0x342: {  	v41 =	vmul.f32 v23, v29;
	v16 =	vadd.f32 v53, v16;
	v18 =	vadd.f32 v55, v18;
	v42 =	vld.idx.msk [tilespmem:v8+s20+$0x0], $0xffff  }
0x343: {  	s31 =	sadd.s32 $0x3, s30;
	v46 =	vmul.f32 v45, v24;
	v1 =	vadd.f32 v57, v1;
	v2 =	vadd.f32 v63, v2;
	v44 =	vld.idx.msk [tilespmem:v22+s18+$0x0], $0xffff  }
0x344: {  	v3 =	vadd.f32 v3, v4;
	v54 =	vadd.s32 s31, v60;
	v16 =	vadd.f32 v27, v16;
	v27 =	vld.idx.msk [tilespmem:v22+s20+$0x0], $0xffff  }
0x345: {  	v39 =	vor.u32 v20, v19;
	v18 =	vadd.f32 v34, v18;
	v2 =	vadd.f32 v28, v2;
	v28 =	vld.idx.msk [tilespmem:v38+s18+$0x0], $0xffff  }
0x346: {  	v24 =	vand.u32 $0x7F, v54;
	v1 =	vadd.f32 v31, v1;
	v3 =	vadd.f32 v41, v3;
	v31 =	vld.idx.msk [tilespmem:v38+s20+$0x0], $0xffff  }
0x347: {  	v55 =	vor.u32 v11, v24;
	v10 =	vadd.f32 v10, v18;
	v18 =	vld [tilespmem:$0x1FFB0]  }
0x348: {  	v15 =	vadd.f32 v49, v15;
	v49 =	vadd.f32 v46, v3;
	v3 =	vld [tilespmem:$0x1FFC0]  }
0x349: {  	v0 =	vadd.f32 v0, v56;
	v56 =	vor.u32 v13, v24;
	v58 =	vadd.f32 v7, v16;
	v7 =	vld [tilespmem:$0x1FFD0]  }
0x34a: {  	v51 =	vld.idx.msk [tilespmem:v39+s18+$0x0], $0xffff  }
0x34b: {  	v15 =	vadd.f32 v26, v15;
	v57 =	vor.u32 v12, v24;
	v52 =	vld.idx.msk [tilespmem:v39+s20+$0x0], $0xffff  }
0x34c: {  	v36 =	vmul.f32 v25, v29;
	v0 =	vadd.f32 v32, v0;
	s31 =	sadd.s32 $0x2, s30;
	v26 =	vld.idx.msk [tilespmem:v55+s18+$0x0], $0xffff  }
0x34d: {  	v29 =	vadd.s32 s31, v60;
	v22 =	vor.u32 v20, v24;
	v6 =	vadd.f32 v6, v15;
	v4 =	vld.idx.msk [tilespmem:v55+s20+$0x0], $0xffff  }
0x34e: {  	v29 =	vand.u32 $0x7F, v29;
	v1 =	vadd.f32 v33, v1;
	v33 =	vld.idx.msk [tilespmem:v56+s18+$0x0], $0xffff  }
0x34f: {  	v0 =	vadd.f32 v36, v0;
	v63 =	vor.u32 v13, v29;
	[tilespmem:$0x1FB30] =	vst v6;
	v6 =	vld.idx.msk [tilespmem:v56+s20+$0x0], $0xffff  }
0x350: {  	v34 =	vld.idx.msk [tilespmem:v57+s18+$0x0], $0xffff  }
0x351: {  	v0 =	vadd.f32 v43, v0;
	v8 =	vld.idx.msk [tilespmem:v57+s20+$0x0], $0xffff  }
0x352: {  	[tilespmem:$0x1FB50] =	vst v58;
	v41 =	vld.idx.msk [tilespmem:v22+s18+$0x0], $0xffff  }
0x353: {  	[tilespmem:$0x1FAF0] =	vst v0;
	v45 =	vld.idx.msk [tilespmem:v22+s20+$0x0], $0xffff  }
0x354: {  	v58 =	vor.u32 v14, v24;
	[tilespmem:$0x1FA80] =	vst v35;
	v54 =	vld.idx.msk [tilespmem:v63+s20+$0x0], $0xffff  }
0x355: {  	v48 =	vadd.f32 v37, v2;
	[tilespmem:$0x1FA90] =	vst v5;
	v37 =	vld [tilespmem:$0x1FA80]  }
0x356: {  	v0 =	vor.u32 v12, v29;
	[tilespmem:$0x1FAA0] =	vst v40;
	v39 =	vld [tilespmem:$0x1FA90]  }
0x357: {  	v62 =	vor.u32 v11, v29;
	v40 =	vld [tilespmem:$0x1FAA0]  }
0x358: {  	v59 =	vor.u32 v18, v24;
	v61 =	vor.u32 v3, v24;
	v22 =	vor.u32 v7, v24;
	v24 =	vld.idx.msk [tilespmem:v24+s15+$0x0], $0xffff  }
0x359: {  	v36 =	vld.idx.msk [tilespmem:v58+s18+$0x0], $0xffff  }
0x35a: {  	[tilespmem:$0x1FB60] =	vst v10;
	v47 =	vor.u32 v18, v19;
	v10 =	vld.idx.msk [tilespmem:v58+s20+$0x0], $0xffff  }
0x35b: {  	v55 =	vld.idx.msk [tilespmem:v0+s18+$0x0], $0xffff  }
0x35c: {  	v50 =	vor.u32 v3, v19;
	v56 =	vld.idx.msk [tilespmem:v0+s20+$0x0], $0xffff  }
0x35d: {  	[tilespmem:$0x1FAD0] =	vst v51;
	v51 =	vld.idx.msk [tilespmem:v62+s18+$0x0], $0xffff  }
0x35e: {  	v53 =	vor.u32 v7, v19;
	[tilespmem:$0x1FAE0] =	vst v52;
	v52 =	vld.idx.msk [tilespmem:v62+s20+$0x0], $0xffff  }
0x35f: {  	v43 =	vld.idx.msk [tilespmem:v47+s18+$0x0], $0xffff  }
0x360: {  	v30 =	vld.idx.msk [tilespmem:v47+s20+$0x0], $0xffff  }
0x361: {  	[tilespmem:$0x1FAB0] =	vst v42;
	v42 =	vld.idx.msk [tilespmem:v50+s18+$0x0], $0xffff  }
0x362: {  	v32 =	vld.idx.msk [tilespmem:v50+s20+$0x0], $0xffff  }
0x363: {  	v21 =	vld.idx.msk [tilespmem:v53+s18+$0x0], $0xffff  }
0x364: {  	v5 =	vld.idx.msk [tilespmem:v53+s20+$0x0], $0xffff  }
0x365: {  	v46 =	vld.idx.msk [tilespmem:v59+s18+$0x0], $0xffff  }
0x366: {  	v35 =	vld.idx.msk [tilespmem:v59+s20+$0x0], $0xffff  }
0x367: {  	[tilespmem:$0x1FB00] =	vst v1;
	v1 =	vor.u32 v20, v29;
	v47 =	vld.idx.msk [tilespmem:v61+s18+$0x0], $0xffff  }
0x368: {  	v9 =	vadd.f32 v9, v17;
	[tilespmem:$0x1FB10] =	vst v48;
	v2 =	vor.u32 v18, v29;
	v48 =	vld.idx.msk [tilespmem:v61+s20+$0x0], $0xffff  }
0x369: {  	[tilespmem:$0x1FB20] =	vst v49;
	v49 =	vld.idx.msk [tilespmem:v22+s18+$0x0], $0xffff  }
0x36a: {  	[tilespmem:$0x1FB40] =	vst v9;
	v9 =	vor.u32 v3, v29;
	v50 =	vld.idx.msk [tilespmem:v22+s20+$0x0], $0xffff  }
0x36b: {  	v22 =	vor.u32 v14, v29;
	v53 =	vld.idx.msk [tilespmem:v63+s18+$0x0], $0xffff  }
0x36c: {  	v59 =	vld.idx.msk [tilespmem:v1+s18+$0x0], $0xffff  }
0x36d: {  	v61 =	vld.idx.msk [tilespmem:v2+s18+$0x0], $0xffff  }
0x36e: {  	[tilespmem:$0x1FAC0] =	vst v44;
	v44 =	vor.u32 v7, v29;
	v62 =	vld.idx.msk [tilespmem:v2+s20+$0x0], $0xffff  }
0x36f: {  	v63 =	vld.idx.msk [tilespmem:v9+s18+$0x0], $0xffff  }
0x370: {  	s31 =	sadd.s32 $0x1, s30;
	v57 =	vld.idx.msk [tilespmem:v22+s18+$0x0], $0xffff  }
0x371: {  	v58 =	vld.idx.msk [tilespmem:v22+s20+$0x0], $0xffff;
	v22 =	vadd.s32 s31, v60  }
0x372: {  	v25 =	vld.idx.msk [tilespmem:v9+s20+$0x0], $0xffff;
	v22 =	vand.u32 $0x7F, v22  }
0x373: {  	v23 =	vld.idx.msk [tilespmem:v44+s18+$0x0], $0xffff;
	v0 =	vor.u32 v11, v22  }
0x374: {  	v29 =	vld.idx.msk [tilespmem:v29+s15+$0x0], $0xffff  }
0x375: {  	v60 =	vld.idx.msk [tilespmem:v1+s20+$0x0], $0xffff;
	v1 =	vor.u32 v13, v22  }
0x376: {  	v11 =	vld.idx.msk [tilespmem:v44+s20+$0x0], $0xffff  }
0x377: {  	v2 =	vor.u32 v12, v22;
	v44 =	vor.u32 v20, v22;
	v20 =	vld [tilespmem:$0x1FAE0]  }
0x378: {  	v9 =	vld.idx.msk [tilespmem:v0+s18+$0x0], $0xffff  }
0x379: {  	v13 =	vld.idx.msk [tilespmem:v0+s20+$0x0], $0xffff  }
0x37a: {  	v38 =	vor.u32 v14, v22;
	v14 =	vld.idx.msk [tilespmem:v1+s18+$0x0], $0xffff  }
0x37b: {  	v15 =	vld.idx.msk [tilespmem:v1+s20+$0x0], $0xffff  }
0x37c: {  	v16 =	vld.idx.msk [tilespmem:v2+s18+$0x0], $0xffff  }
0x37d: {  	v17 =	vld.idx.msk [tilespmem:v2+s20+$0x0], $0xffff  }
0x37e: {  	v7 =	vor.u32 v7, v22;
	v2 =	vmul.f32 v39, v37;
	v37 =	vld [tilespmem:$0x1FAB0]  }
0x37f: {  	v1 =	vld.idx.msk [tilespmem:v38+s18+$0x0], $0xffff  }
0x380: {  	v39 =	vld [tilespmem:$0x1FAC0]  }
0x381: {  	v28 =	vmul.f32 v31, v28;
	v18 =	vor.u32 v18, v22;
	v31 =	vld.idx.msk [tilespmem:v38+s20+$0x0], $0xffff  }
0x382: {  	v38 =	vmul.f32 v30, v43;
	v30 =	vld.idx.msk [tilespmem:v44+s18+$0x0], $0xffff  }
0x383: {  	v25 =	vmul.f32 v25, v63;
	v0 =	vor.u32 v3, v22;
	v3 =	vld.idx.msk [tilespmem:v7+s18+$0x0], $0xffff  }
0x384: {  	v43 =	vmul.f32 v6, v33;
	v33 =	vmul.f32 v10, v36;
	v7 =	vld.idx.msk [tilespmem:v7+s20+$0x0], $0xffff  }
0x385: {  	v23 =	vmul.f32 v11, v23;
	v12 =	vmul.f32 v37, v40;
	v40 =	vld [tilespmem:$0x1FAD0]  }
0x386: {  	v27 =	vmul.f32 v27, v39;
	v39 =	vmul.f32 v32, v42;
	v32 =	vld.idx.msk [tilespmem:v18+s18+$0x0], $0xffff  }
0x387: {  	v42 =	vmul.f32 v4, v26;
	v4 =	vld.idx.msk [tilespmem:v18+s20+$0x0], $0xffff;
	v18 =	vmul.f32 v45, v41  }
0x388: {  	v6 =	vld.idx.msk [tilespmem:v0+s18+$0x0], $0xffff;
	v26 =	vmul.f32 v35, v46;
	v45 =	vmul.f32 v52, v51  }
0x389: {  	v0 =	vld.idx.msk [tilespmem:v0+s20+$0x0], $0xffff;
	v46 =	vmul.f32 v54, v53;
	v35 =	vmul.f32 v56, v55  }
0x38a: {  	v56 =	vld [tilespmem:$0x1FAF0];
	v37 =	vmul.f32 v20, v40;
	v40 =	vmul.f32 v5, v21  }
0x38b: {  	v5 =	vld.idx.msk [tilespmem:v44+s20+$0x0], $0xffff;
	v44 =	vmul.f32 v8, v34;
	v21 =	vmul.f32 v48, v47  }
0x38c: {  	v53 =	vld.idx.msk [tilespmem:v19+s15+$0x0], $0xffff;
	v20 =	vmul.f32 v50, v49;
	v34 =	vmul.f32 v58, v57  }
0x38d: {  	v58 =	vmul.f32 v60, v59;
	v59 =	vld [tilespmem:$0x1FB00];
	v57 =	vmul.f32 v62, v61  }
0x38e: {  	p0 =	slt.u32 s30, $0x7C;
	v62 =	vld [tilespmem:$0x1FB10];
	v49 =	vmul.f32 v13, v9;
	v50 =	vmul.f32 v15, v14  }
.Ltmp3:
0x38f: {  	v61 =	vld [tilespmem:$0x1FB20];
	v48 =	vmul.f32 v17, v16;
	v47 =	vmul.f32 v31, v1;
	(pc) =	sbr.rel @p0 .LBB2_8-.Ltmp3, $4  }
0x390: {  	v15 =	vld [tilespmem:$0x1FB30];
	v36 =	vmul.f32 v4, v32;
	v32 =	vmul.f32 v0, v6  }
0x391: {  	v17 =	vld [tilespmem:$0x1FB40];
	v54 =	vmul.f32 v2, v53;
	v55 =	vmul.f32 v12, v53  }
0x392: {  	v16 =	vld [tilespmem:$0x1FB50];
	v51 =	vmul.f32 v27, v53;
	v52 =	vmul.f32 v28, v53  }
0x393: {  	s30 =	sadd.s32 $0x4, s30;
	v28 =	vld [tilespmem:$0x1FB60];
	v41 =	vmul.f32 v5, v30;
	v30 =	vmul.f32 v7, v3  }
0x394: {  	_ =	sdelay $0x2  }
0x395: {  	v0 =	vmul.f32 v37, v53  }
0x396: {  	v1 =	vld.idx.msk [tilespmem:v22+s15+$0x0], $0xffff;
	v2 =	vmul.f32 v38, v53;
	v3 =	vmul.f32 v39, v53  }
0x397: {  	v4 =	vmul.f32 v40, v53;
	v5 =	vmul.f32 v42, v24  }
0x398: {  	v6 =	vmul.f32 v43, v24;
	v7 =	vmul.f32 v44, v24  }
0x399: {  	v8 =	vmul.f32 v45, v29;
	v9 =	vmul.f32 v46, v29;
	v12 =	vadd.f32 v54, v15  }
0x39a: {  	v63 =	vmul.f32 v57, v29;
	v0 =	vadd.f32 v0, v59;
	v13 =	vadd.f32 v55, v16  }
0x39b: {  	v11 =	vmul.f32 v50, v1;
	v14 =	vmul.f32 v48, v1;
	v48 =	vadd.f32 v51, v17  }
0x39c: {  	v2 =	vadd.f32 v2, v62;
	v10 =	vmul.f32 v49, v1;
	v49 =	vadd.f32 v52, v28  }
0x39d: {  	v51 =	vmul.f32 v35, v29;
	v11 =	vadd.f32 v11, v13;
	v52 =	vadd.f32 v14, v48  }
0x39e: {  	v3 =	vadd.f32 v3, v56;
	v50 =	vmul.f32 v47, v1;
	v10 =	vadd.f32 v10, v12  }
0x39f: {  	v54 =	vmul.f32 v34, v29;
	v9 =	vadd.f32 v9, v11;
	v11 =	vadd.f32 v51, v52  }
0x3a0: {  	v4 =	vadd.f32 v4, v61;
	v60 =	vmul.f32 v41, v1;
	v53 =	vadd.f32 v50, v49  }
0x3a1: {  	v8 =	vadd.f32 v8, v10;
	v7 =	vadd.f32 v7, v11;
	v11 =	vmul.f32 v32, v1  }
0x3a2: {  	v0 =	vadd.f32 v60, v0;
	v10 =	vmul.f32 v58, v29;
	v58 =	vadd.f32 v54, v53  }
0x3a3: {  	v5 =	vadd.f32 v5, v8;
	v8 =	vmul.f32 v36, v1;
	v3 =	vadd.f32 v11, v3;
	v11 =	vld [tilespmem:$0x1FED0]  }
0x3a4: {  	v1 =	vmul.f32 v30, v1;
	v0 =	vadd.f32 v10, v0;
	v10 =	vmul.f32 v18, v24  }
0x3a5: {  	v6 =	vadd.f32 v6, v9;
	v2 =	vadd.f32 v8, v2;
	v8 =	vmul.f32 v25, v29  }
0x3a6: {  	v1 =	vadd.f32 v1, v4;
	v4 =	vmul.f32 v23, v29;
	v0 =	vadd.f32 v10, v0  }
0x3a7: {  	v2 =	vadd.f32 v63, v2;
	v3 =	vadd.f32 v8, v3;
	v8 =	vmul.f32 v26, v24  }
0x3a8: {  	v55 =	vmul.f32 v33, v24;
	v1 =	vadd.f32 v4, v1;
	v5 =	vadd.f32 v5, v11  }
0x3a9: {  	v2 =	vadd.f32 v8, v2;
	v4 =	vadd.f32 v6, v11  }
0x3aa: {  	v9 =	vadd.f32 v55, v58;
	v6 =	vmul.f32 v21, v24;
	v0 =	vadd.f32 v0, v11;
	[tilespmem:$0x10680] =	vst v5  }
0x3ab: {  	v2 =	vadd.f32 v2, v11;
	v5 =	vadd.f32 v7, v11;
	v7 =	vmul.f32 v20, v24;
	[tilespmem:$0x10690] =	vst v4  }
0x3ac: {  	v3 =	vadd.f32 v6, v3;
	[tilespmem:$0x106C0] =	vst v0  }
0x3ad: {  	v4 =	vadd.f32 v9, v11;
	[tilespmem:$0x106D0] =	vst v2;
	v1 =	vadd.f32 v7, v1  }
0x3ae: {  	[tilespmem:$0x106A0] =	vst v5;
	v0 =	vadd.f32 v3, v11  }
0x3af: {  	[tilespmem:$0x106B0] =	vst v4;
	v1 =	vadd.f32 v1, v11  }
0x3b0: {  	[tilespmem:$0x106E0] =	vst v0  }
0x3b1: {  	[tilespmem:$0x106F0] =	vst v1  }
0x3b2: {  	[hbm4b:s8+s4] =	stream.linear.scatter [tilespmem:s28], [sflag:$0x5], $0x200, $0x38;
	[tilespmem:$0x10700] =	vst v63  }
0x3b3: {  	_ =	swait.ge [sflag:s10], $0x200  }
0x3b4: {  	v2 =	vld [tilespmem:$0x1FF80]  }
0x3b5: {  	s29 =	sadd.s32 $0x1, s29;
	v3 =	vld [tilespmem:$0x1FFE0]  }
0x3b6: {  	p0 =	sne.s32 s29, s9;
	v4 =	vld [tilespmem:$0x1FFF0]  }
.Ltmp4:
0x3b7: {  	v5 =	vld [tilespmem:$0x1FF90];
	(pc) =	sbr.rel @p0 .LBB2_1-.Ltmp4, $4  }
0x3b8: {  	v6 =	vld [tilespmem:$0x1FFA0]  }
0x3b9: {  	v7 =	vld [tilespmem:$0x1FFB0]  }
0x3ba: {  	[sflag:s10] =	ssyncset.done $0x0;
	v8 =	vld [tilespmem:$0x1FFC0]  }
0x3bb: {  	v0 =	vlaneseq.u32;
	v9 =	vld [tilespmem:$0x1FFD0];
	[sflag:s10] =	ssyncadd.s32 $0xFFFFFE00  }
0x3bc: {  	_ =	sfence.sel $0x180000  }
0x3bd: {  	[bflag:$0x0] =	sbarrier.arrive $0xFFFF  }
0x3be: {  	p0 =	sne.s32 s3, $0x0;
	_ =	strace $0x90000047  }
0x3bf: {  	s0 =	sadd.s32 @!p0 $0x100000, s0;
	[bflag:$0x2] =	sbarrier.arrive $0xFFFF  }
0x3c0: {  	[sflag:s0] =	ssyncadd.tile.s32 @!p0 $0x1;
	_ =	shalt  }
.Lfunc_end2:
_tile_overlayer_lowered:
.L_overlay_start_2:
0x3c1: {  	(tag) =	ssettag $0x2  }
0x3c2: {  	s0 =	rddreg [dreg:$0x0];
	s2 =	stileid.u32  }
0x3c3: {  	s1 =	rddreg [dreg:$0x1];
	p0 =	sne.s32 s2, $0x0  }
0x3c4: {  	s3 =	rddreg [dreg:$0x2];
	[bflag:$0x3] =	sbarrier.arrive $0xFFFF;
	s2 =	simm.s32 @!p0 $0x1C05  }
0x3c5: {  	[timem:s3], [sflag:s2] =	dma.local @!p0 [hbm:s0], s1  }
0x3c6: {  	s0 =	simm.s32 @!p0 $0x5  }
0x3c7: {  	_ =	swait.ge @!p0 [sflag:s0], s1  }
0x3c8: {  	s1 =	ssub.s32 @!p0 $0x0, s1;
	[sflag:s0] =	ssyncset.done @!p0 $0x0  }
0x3c9: {  	[sflag:s0] =	ssyncadd.s32 @!p0 s1  }
0x3ca: {  	[bflag:$0x3] =	sbarrier.arrive $0xFFFF  }
0x3cb: {  	_ =	shalt  }

</sc_bundles>
